<compile_context>
chip_gen: v7x
topology: tpu7x:2x2x1
jax: 0.10.2.dev20260603
libtpu: 0.0.44.dev20260713+nightly
codegen_flags: <defaults>
</compile_context>

<pallas_src>
import functools

import jax
import jax.numpy as jnp
from jax import lax
from jax.experimental import pallas as pl
from jax.experimental.pallas import tpu as pltpu
from jax.experimental.pallas import tpu_sc as plsc

_N = 10000
_E = 160000
_H = 2
_C = 128

_NP = 10240
_ET = _E // 16
_RK = 80
_NCH = _ET // _RK


def _lrelu01(t):
    return jnp.where(t > 0, t, 0.01 * t)



def _k1_body(x_ref, w_ref, aall_ref, xp0_ref, xp1_ref, a_ref):
    xp = jnp.dot(x_ref[...], w_ref[...], preferred_element_type=jnp.float32)
    xp0_ref[...] = xp[:, :_C]
    xp1_ref[...] = xp[:, _C:]
    a_ref[...] = jnp.dot(xp, aall_ref[...], preferred_element_type=jnp.float32)


def _k1(x, W, aall):
    bm = 2000
    grid = (_N // bm,)
    return pl.pallas_call(
        _k1_body,
        grid=grid,
        in_specs=[
            pl.BlockSpec((bm, 512), lambda i: (i, 0)),
            pl.BlockSpec((512, _H * _C), lambda i: (0, 0)),
            pl.BlockSpec((_H * _C, 8), lambda i: (0, 0)),
        ],
        out_specs=[
            pl.BlockSpec((bm, _C), lambda i: (i, 0)),
            pl.BlockSpec((bm, _C), lambda i: (i, 0)),
            pl.BlockSpec((bm, 8), lambda i: (i, 0)),
        ],
        out_shape=[
            jax.ShapeDtypeStruct((_N, _C), jnp.float32),
            jax.ShapeDtypeStruct((_N, _C), jnp.float32),
            jax.ShapeDtypeStruct((_N, 8), jnp.float32),
        ],
    )(x, W, aall)



_GRP = 400
_NGRP = _ET // _GRP


def _sc_edge_body(xpf, asrc2, adst2, src_h, dst3, den02, zblk, out,
                  idx_sb, dst2b, as_t, ad_t, den_t, rows, coef_t, idxrow2,
                  den_sh, accum, sem):
    c = lax.axis_index("c")
    s = lax.axis_index("s")
    shift = c * _NP

    pltpu.sync_copy(asrc2.at[c], as_t)
    pltpu.sync_copy(adst2.at[c], ad_t)
    pltpu.sync_copy(den02, den_t)
    pltpu.sync_copy(zblk, accum.at[pl.ds(s * 640, 640)])

    @pl.when(s == 0)
    def _():
        pltpu.sync_copy(den02, den_sh)

    def _rowidx_body(j, _):
        idxrow2[j, pl.ds(0, 16)] = lax.iota(jnp.int32, 16) + j * 16
        return 0

    lax.fori_loop(0, 40, _rowidx_body, 0)

    def _den_grp(g, _):
        ebase = s * _ET + g * _GRP
        pltpu.sync_copy(src_h.at[pl.ds(ebase, _GRP)], idx_sb)
        pltpu.sync_copy(dst3.at[s, pl.ds(g * (_GRP // _RK), _GRP // _RK)],
                        dst2b)

        def _den_body(i, _):
            vs = idx_sb[pl.ds(i * 16, 16)]
            vd = dst2b[i // 5, pl.ds((i % 5) * 16, 16)]
            al = plsc.load_gather(as_t, [vs]) + plsc.load_gather(ad_t, [vd])
            al = jnp.where(al > 0, al, 0.2 * al)
            ex = jnp.exp(al)
            plsc.addupdate_scatter(
                den_t, [lax.shift_right_logical(vd, 4), vd & 15], ex)
            return 0

        lax.fori_loop(0, _GRP // 16, _den_body, 0)
        return 0

    lax.fori_loop(0, _NGRP, _den_grp, 0)
    plsc.subcore_barrier()

    def _red_body(j, _):
        pltpu.sync_copy(den_t.at[pl.ds(j * 16, 16)],
                        den_sh.at[idxrow2.at[j]], add=True)
        return 0

    lax.fori_loop(0, 40, _red_body, 0)
    plsc.subcore_barrier()
    pltpu.sync_copy(den_sh, den_t)

    def _agg_grp(g, _):
        ebase = s * _ET + g * _GRP
        pltpu.sync_copy(src_h.at[pl.ds(ebase, _GRP)], idx_sb)
        pltpu.sync_copy(dst3.at[s, pl.ds(g * (_GRP // _RK), _GRP // _RK)],
                        dst2b)

        def _shift_body(i, _):
            idx_sb[pl.ds(i * 16, 16)] = idx_sb[pl.ds(i * 16, 16)] + shift
            return 0

        lax.fori_loop(0, _GRP // 16, _shift_body, 0)

        def _chunk_body(k, _):
            pltpu.async_copy(xpf.at[idx_sb.at[pl.ds(k * _RK, _RK)]],
                             rows, sem).wait()

            @plsc.parallel_loop(0, _RK // 16, 1, unroll=1)
            def _coef_body(q):
                i = k * (_RK // 16) + q
                vs = idx_sb[pl.ds(i * 16, 16)] - shift
                vd = dst2b[i // 5, pl.ds((i % 5) * 16, 16)]
                al = plsc.load_gather(as_t, [vs]) + plsc.load_gather(ad_t, [vd])
                al = jnp.where(al > 0, al, 0.2 * al)
                ex = jnp.exp(al)
                den = plsc.load_gather(
                    den_t, [lax.shift_right_logical(vd, 4), vd & 15])
                coef_t[pl.ds(q * 16, 16)] = ex / (den + 1e-16)

            @plsc.parallel_loop(0, _RK, 1, unroll=8)
            def _row_body(r):
                cs = plsc.load_gather(coef_t, [jnp.full((16,), r, jnp.int32)])
                for k2 in range(_C // 16):
                    rows[r, pl.ds(k2 * 16, 16)] = \
                        rows[r, pl.ds(k2 * 16, 16)] * cs

            pltpu.sync_copy(rows, accum.at[dst2b.at[k]], add=True)
            return 0

        lax.fori_loop(0, _GRP // _RK, _chunk_body, 0)
        return 0

    lax.fori_loop(0, _NGRP, _agg_grp, 0)

    plsc.subcore_barrier()
    pltpu.sync_copy(accum.at[pl.ds(s * 640, 640)],
                    out.at[c, pl.ds(s * 640, 640)])


def _sc_edge(xpf, asrc2, adst2, src, dst3, den02, zblk):
    mesh = plsc.VectorSubcoreMesh(core_axis_name="c", subcore_axis_name="s")
    f = functools.partial(
        pl.kernel,
        mesh=mesh,
        compiler_params=pltpu.CompilerParams(
            use_tc_tiling_on_sc=False, needs_layout_passes=False),
        out_type=jax.ShapeDtypeStruct((_H, _NP, _C), jnp.float32),
        scratch_types=[
            pltpu.VMEM((_GRP,), jnp.int32),
            pltpu.VMEM((_GRP // _RK, _RK), jnp.int32),
            pltpu.VMEM((_NP,), jnp.float32),
            pltpu.VMEM((_NP,), jnp.float32),
            pltpu.VMEM((_NP // 16, 16), jnp.float32),
            pltpu.VMEM((_RK, _C), jnp.float32),
            pltpu.VMEM((_RK,), jnp.float32),
            pltpu.VMEM((40, 16), jnp.int32),
            pltpu.VMEM_SHARED((_NP // 16, 16), jnp.float32),
            pltpu.VMEM_SHARED((_NP, _C), jnp.float32),
            pltpu.SemaphoreType.DMA,
        ],
    )(_sc_edge_body)
    return f(xpf, asrc2, adst2, src, dst3, den02, zblk)



def _k3_body(o0_ref, o1_ref, bc0_ref, bc1_ref, wa0_ref, wa1_ref, ba_ref,
             w1_ref, b1_ref, w2_ref, b2_ref, w3_ref, b3_ref, y_ref):
    t0 = _lrelu01(o0_ref[...] + bc0_ref[...])
    t1 = _lrelu01(o1_ref[...] + bc1_ref[...])
    h = jnp.dot(t0, wa0_ref[...], preferred_element_type=jnp.float32)
    h = h + jnp.dot(t1, wa1_ref[...], preferred_element_type=jnp.float32)
    h = _lrelu01(h + ba_ref[...])
    h = _lrelu01(jnp.dot(h, w1_ref[...], preferred_element_type=jnp.float32)
                 + b1_ref[...])
    h = _lrelu01(jnp.dot(h, w2_ref[...], preferred_element_type=jnp.float32)
                 + b2_ref[...])
    y_ref[...] = jnp.dot(h, w3_ref[...], preferred_element_type=jnp.float32) \
        + b3_ref[...]


def _k3(o0, o1, bc0, bc1, Wa0, Wa1, ba, W1, b1, W2, b2, W3p, b3p):
    bm = 2000
    grid = (_N // bm,)
    full = lambda r, c: pl.BlockSpec((r, c), lambda i: (0, 0))
    return pl.pallas_call(
        _k3_body,
        grid=grid,
        in_specs=[
            pl.BlockSpec((bm, _C), lambda i: (i, 0)),
            pl.BlockSpec((bm, _C), lambda i: (i, 0)),
            full(1, _C), full(1, _C),
            full(_C, _C), full(_C, _C), full(1, _C),
            full(_C, 64), full(1, 64),
            full(64, 32), full(1, 32),
            full(32, 8), full(1, 8),
        ],
        out_specs=pl.BlockSpec((bm, 8), lambda i: (i, 0)),
        out_shape=jax.ShapeDtypeStruct((_N, 8), jnp.float32),
    )(o0, o1, bc0, bc1, Wa0, Wa1, ba, W1, b1, W2, b2, W3p, b3p)



def _k4_body(y_ref, yt_ref, out_ref):
    yi = y_ref[...]
    yjt = yt_ref[...]
    g = jnp.dot(yi, yjt, preferred_element_type=jnp.float32)
    ri = jnp.sum(yi * yi, axis=1, keepdims=True)
    rj = jnp.sum(yjt * yjt, axis=0, keepdims=True)
    d2 = jnp.maximum(ri + rj - 2.0 * g, 0.0)
    pos = d2 > 0
    out_ref[...] = jnp.where(pos, jnp.sqrt(jnp.where(pos, d2, 1.0)), 0.0)


def _k4(y, yT):
    bm = 400
    grid = (_N // bm,)
    return pl.pallas_call(
        _k4_body,
        grid=grid,
        in_specs=[
            pl.BlockSpec((bm, 8), lambda i: (i, 0)),
            pl.BlockSpec((8, _N), lambda i: (0, 0)),
        ],
        out_specs=pl.BlockSpec((bm, _N), lambda i: (i, 0)),
        out_shape=jax.ShapeDtypeStruct((_N, _N), jnp.float32),
    )(y, yT)


def kernel(x, edge_index, W, att_src, att_dst, b_conv, Wa, ba, W1, b1,
           W2, b2, W3, b3):
    src = edge_index[0].astype(jnp.int32)
    dst = edge_index[1].astype(jnp.int32)

    av_src = att_src.reshape(_H, _C)
    av_dst = att_dst.reshape(_H, _C)
    aall = jnp.zeros((_H * _C, 8), jnp.float32)
    aall = aall.at[:_C, 0].set(av_src[0])
    aall = aall.at[_C:, 1].set(av_src[1])
    aall = aall.at[:_C, 2].set(av_dst[0])
    aall = aall.at[_C:, 3].set(av_dst[1])

    xp0, xp1, a = _k1(x, W, aall)

    pad = ((0, _NP - _N), (0, 0))
    xpf = jnp.concatenate([jnp.pad(xp0, pad), jnp.pad(xp1, pad)], axis=0)
    asrc2 = jnp.stack([jnp.pad(a[:, 0], (0, _NP - _N)),
                       jnp.pad(a[:, 1], (0, _NP - _N))])
    adst2 = jnp.stack([jnp.pad(a[:, 2], (0, _NP - _N)),
                       jnp.pad(a[:, 3], (0, _NP - _N))])
    dst3 = dst.reshape(16, _NCH, _RK)
    den02 = jnp.zeros((_NP // 16, 16), jnp.float32)
    zblk = jnp.zeros((640, _C), jnp.float32)

    o = _sc_edge(xpf, asrc2, adst2, src, dst3, den02, zblk)
    o0 = o[0, :_N]
    o1 = o[1, :_N]

    bc0 = b_conv[:_C].reshape(1, _C)
    bc1 = b_conv[_C:].reshape(1, _C)
    Wa0 = Wa[:_C]
    Wa1 = Wa[_C:]
    W3p = jnp.zeros((32, 8), jnp.float32).at[:, :3].set(W3)
    b3p = jnp.zeros((1, 8), jnp.float32).at[0, :3].set(b3)

    y = _k3(o0, o1, bc0, bc1, Wa0, Wa1, ba.reshape(1, -1),
            W1, b1.reshape(1, -1), W2, b2.reshape(1, -1), W3p, b3p)
    yT = y.T
    return _k4(y, yT)

# --- scband reference (transcript-rebuilt; emitter-appended) ---
"""Pipeline reference for scband-gatnet-heads-changed-leaky-re-lu-31628139168038 (READ-ONLY COPY).

The authoritative reference and input builder live on the scoring server;
editing this copy changes nothing except your own understanding.
"""

import jax, jax.numpy as jnp
import numpy as np

N = 10000
E = 160000
H = 2
C = 128


def setup_inputs(seed: int = 0) -> dict:
    key = jax.random.key(seed)
    ks = jax.random.split(key, 16)
    x = jax.random.normal(ks[0], (N, 512), dtype=jnp.float32)
    edge_index = jax.random.randint(ks[1], (2, E), 0, N, dtype=jnp.int64)
    W = jax.random.normal(ks[2], (512, H * C), dtype=jnp.float32) * 0.05
    att_src = jax.random.normal(ks[3], (1, H, C), dtype=jnp.float32) * 0.05
    att_dst = jax.random.normal(ks[4], (1, H, C), dtype=jnp.float32) * 0.05
    b_conv = jnp.zeros((H * C,), dtype=jnp.float32)
    Wa = jax.random.normal(ks[5], (256, 128), dtype=jnp.float32) * 0.05
    ba = jnp.zeros((128,), dtype=jnp.float32)
    W1 = jax.random.normal(ks[6], (128, 64), dtype=jnp.float32) * 0.05
    b1 = jnp.zeros((64,), dtype=jnp.float32)
    W2 = jax.random.normal(ks[7], (64, 32), dtype=jnp.float32) * 0.05
    b2 = jnp.zeros((32,), dtype=jnp.float32)
    W3 = jax.random.normal(ks[8], (32, 3), dtype=jnp.float32) * 0.05
    b3 = jnp.zeros((3,), dtype=jnp.float32)
    return {"x": x, "edge_index": edge_index, "W": W, "att_src": att_src,
            "att_dst": att_dst, "b_conv": b_conv, "Wa": Wa, "ba": ba,
            "W1": W1, "b1": b1, "W2": W2, "b2": b2, "W3": W3, "b3": b3}


def _gat_conv(x, edge_index, W, att_src, att_dst, b_conv):
    xp = (x @ W).reshape(N, H, C)
    a_src = jnp.sum(xp * att_src, axis=-1)  # [N, H]
    a_dst = jnp.sum(xp * att_dst, axis=-1)  # [N, H]
    src = edge_index[0]
    dst = edge_index[1]
    alpha = a_src[src] + a_dst[dst]  # [E, H]
    alpha = jax.nn.leaky_relu(alpha, negative_slope=0.2)
    amax = jax.ops.segment_max(alpha, dst, num_segments=N)  # [N, H]
    amax = jnp.where(jnp.isfinite(amax), amax, 0.0)
    ex = jnp.exp(alpha - amax[dst])
    denom = jax.ops.segment_sum(ex, dst, num_segments=N)  # [N, H]
    coef = ex / (denom[dst] + 1e-16)  # [E, H]
    msg = xp[src] * coef[:, :, None]  # [E, H, C]
    out = jax.ops.segment_sum(msg, dst, num_segments=N)  # [N, H, C]
    return out.reshape(N, H * C) + b_conv


def _safe_cdist(x):
    x2 = jnp.sum(x * x, axis=-1)
    d2 = x2[:, None] + x2[None, :] - 2.0 * (x @ x.T)
    d2 = jnp.maximum(d2, 0.0)
    pos = d2 > 0
    return jnp.where(pos, jnp.sqrt(jnp.where(pos, d2, 1.0)), 0.0)


def reference(x, edge_index, W, att_src, att_dst, b_conv, Wa, ba, W1, b1, W2, b2, W3, b3):
    lrelu = lambda t: jax.nn.leaky_relu(t, negative_slope=0.01)
    h = _gat_conv(x, edge_index, W, att_src, att_dst, b_conv)
    h = lrelu(h)
    h = lrelu(h @ Wa + ba)
    h = lrelu(h @ W1 + b1)
    h = lrelu(h @ W2 + b2)
    h = h @ W3 + b3
    return _safe_cdist(h)

if __name__ == "__main__":
    import jax
    _d = setup_inputs()
    print(jax.jit(kernel)(*tuple(_d.values())))

</pallas_src>

<mosaic_0001>
#map = affine_map<(d0, d1) -> (0, 0)>
#map1 = affine_map<(d0, d1) -> (0)>
#map2 = affine_map<(d0, d1) -> (0, 0, 0)>
module attributes {stable_mosaic.version = 14 : i64} {
  func.func @_sc_edge_body(%arg0: i32, %arg1: i32, %arg2: memref<20480x128xf32, #tpu.memory_space<hbm>>, %arg3: memref<2x10240xf32, #tpu.memory_space<hbm>>, %arg4: memref<2x10240xf32, #tpu.memory_space<hbm>>, %arg5: memref<160000xi32, #tpu.memory_space<hbm>>, %arg6: memref<16x125x80xi32, #tpu.memory_space<hbm>>, %arg7: memref<640x16xf32, #tpu.memory_space<hbm>>, %arg8: memref<640x128xf32, #tpu.memory_space<hbm>>, %arg9: memref<2x10240x128xf32, #tpu.memory_space<hbm>>, %arg10: memref<400xi32, #tpu.memory_space<vmem>>, %arg11: memref<5x80xi32, #tpu.memory_space<vmem>>, %arg12: memref<10240xf32, #tpu.memory_space<vmem>>, %arg13: memref<10240xf32, #tpu.memory_space<vmem>>, %arg14: memref<640x16xf32, #tpu.memory_space<vmem>>, %arg15: memref<80x128xf32, #tpu.memory_space<vmem>>, %arg16: memref<80xf32, #tpu.memory_space<vmem>>, %arg17: memref<40x16xi32, #tpu.memory_space<vmem>>, %arg18: memref<640x16xf32, #tpu.memory_space<vmem_shared>>, %arg19: memref<10240x128xf32, #tpu.memory_space<vmem_shared>>, %arg20: memref<!tpu.dma_semaphore, #tpu.memory_space<semaphore_mem>>) attributes {dimension_semantics = [#tpu.dimension_semantics<core_parallel>, #tpu.dimension_semantics<subcore_parallel>], iteration_bounds = array<i64: 2, 16>, scalar_prefetch = 0 : i64, scratch_operands = 11 : i64, tpu.core_type = #tpu.core_type<sc_vector_subcore>, window_params = [{transform_indices = #map}, {transform_indices = #map}, {transform_indices = #map}, {transform_indices = #map1}, {transform_indices = #map2}, {transform_indices = #map}, {transform_indices = #map}, {transform_indices = #map2}]} {
    %mul3A = arith.constant 10240 : i32
    %mul3A_0 = arith.muli %arg0, %mul3A : i32
    "tpu.region"() ({
      %run_scoped3A = tpu.sem_alloc : memref<!tpu.dma_semaphore, #tpu.memory_space<semaphore_mem>>
      %dma_start3A = arith.constant 0 : i32
      %dma_start3A_38 = tpu.memref_slice %arg3[%arg0, %dma_start3A] : memref<2x10240xf32, #tpu.memory_space<hbm>> -> memref<1x10240xf32, #tpu.memory_space<hbm>>
      %dma_start3A_39 = tpu.memref_squeeze %dma_start3A_38 : memref<1x10240xf32, #tpu.memory_space<hbm>> -> memref<10240xf32, #tpu.memory_space<hbm>>
      %dma_start3A_40 = arith.constant 0 : i32
      %dma_start3A_41 = tpu.memref_slice %arg3[%arg0, %dma_start3A_40] : memref<2x10240xf32, #tpu.memory_space<hbm>> -> memref<1x10240xf32, #tpu.memory_space<hbm>>
      %dma_start3A_42 = tpu.memref_squeeze %dma_start3A_41 : memref<1x10240xf32, #tpu.memory_space<hbm>> -> memref<10240xf32, #tpu.memory_space<hbm>>
      tpu.enqueue_dma source(%dma_start3A_42 : memref<10240xf32, #tpu.memory_space<hbm>>) target(%arg12 : memref<10240xf32, #tpu.memory_space<vmem>>) target_semaphore(%run_scoped3A : memref<!tpu.dma_semaphore, #tpu.memory_space<semaphore_mem>>)
      %dma_wait3A = arith.constant 0 : i32
      %dma_wait3A_43 = tpu.memref_slice %arg3[%arg0, %dma_wait3A] : memref<2x10240xf32, #tpu.memory_space<hbm>> -> memref<1x10240xf32, #tpu.memory_space<hbm>>
      %dma_wait3A_44 = tpu.memref_squeeze %dma_wait3A_43 : memref<1x10240xf32, #tpu.memory_space<hbm>> -> memref<10240xf32, #tpu.memory_space<hbm>>
      %dma_wait3A_45 = arith.constant 0 : i32
      %dma_wait3A_46 = tpu.memref_slice %arg3[%arg0, %dma_wait3A_45] : memref<2x10240xf32, #tpu.memory_space<hbm>> -> memref<1x10240xf32, #tpu.memory_space<hbm>>
      %dma_wait3A_47 = tpu.memref_squeeze %dma_wait3A_46 : memref<1x10240xf32, #tpu.memory_space<hbm>> -> memref<10240xf32, #tpu.memory_space<hbm>>
      tpu.wait_dma2 semaphore(%run_scoped3A : memref<!tpu.dma_semaphore, #tpu.memory_space<semaphore_mem>>) src(%dma_wait3A_47 : memref<10240xf32, #tpu.memory_space<hbm>>) dst(%arg12 : memref<10240xf32, #tpu.memory_space<vmem>>)
      tpu.yield
    }) : () -> ()
    "tpu.region"() ({
      %run_scoped3A = tpu.sem_alloc : memref<!tpu.dma_semaphore, #tpu.memory_space<semaphore_mem>>
      %dma_start3A = arith.constant 0 : i32
      %dma_start3A_38 = tpu.memref_slice %arg4[%arg0, %dma_start3A] : memref<2x10240xf32, #tpu.memory_space<hbm>> -> memref<1x10240xf32, #tpu.memory_space<hbm>>
      %dma_start3A_39 = tpu.memref_squeeze %dma_start3A_38 : memref<1x10240xf32, #tpu.memory_space<hbm>> -> memref<10240xf32, #tpu.memory_space<hbm>>
      %dma_start3A_40 = arith.constant 0 : i32
      %dma_start3A_41 = tpu.memref_slice %arg4[%arg0, %dma_start3A_40] : memref<2x10240xf32, #tpu.memory_space<hbm>> -> memref<1x10240xf32, #tpu.memory_space<hbm>>
      %dma_start3A_42 = tpu.memref_squeeze %dma_start3A_41 : memref<1x10240xf32, #tpu.memory_space<hbm>> -> memref<10240xf32, #tpu.memory_space<hbm>>
      tpu.enqueue_dma source(%dma_start3A_42 : memref<10240xf32, #tpu.memory_space<hbm>>) target(%arg13 : memref<10240xf32, #tpu.memory_space<vmem>>) target_semaphore(%run_scoped3A : memref<!tpu.dma_semaphore, #tpu.memory_space<semaphore_mem>>)
      %dma_wait3A = arith.constant 0 : i32
      %dma_wait3A_43 = tpu.memref_slice %arg4[%arg0, %dma_wait3A] : memref<2x10240xf32, #tpu.memory_space<hbm>> -> memref<1x10240xf32, #tpu.memory_space<hbm>>
      %dma_wait3A_44 = tpu.memref_squeeze %dma_wait3A_43 : memref<1x10240xf32, #tpu.memory_space<hbm>> -> memref<10240xf32, #tpu.memory_space<hbm>>
      %dma_wait3A_45 = arith.constant 0 : i32
      %dma_wait3A_46 = tpu.memref_slice %arg4[%arg0, %dma_wait3A_45] : memref<2x10240xf32, #tpu.memory_space<hbm>> -> memref<1x10240xf32, #tpu.memory_space<hbm>>
      %dma_wait3A_47 = tpu.memref_squeeze %dma_wait3A_46 : memref<1x10240xf32, #tpu.memory_space<hbm>> -> memref<10240xf32, #tpu.memory_space<hbm>>
      tpu.wait_dma2 semaphore(%run_scoped3A : memref<!tpu.dma_semaphore, #tpu.memory_space<semaphore_mem>>) src(%dma_wait3A_47 : memref<10240xf32, #tpu.memory_space<hbm>>) dst(%arg13 : memref<10240xf32, #tpu.memory_space<vmem>>)
      tpu.yield
    }) : () -> ()
    "tpu.region"() ({
      %run_scoped3A = tpu.sem_alloc : memref<!tpu.dma_semaphore, #tpu.memory_space<semaphore_mem>>
      tpu.enqueue_dma source(%arg7 : memref<640x16xf32, #tpu.memory_space<hbm>>) target(%arg14 : memref<640x16xf32, #tpu.memory_space<vmem>>) target_semaphore(%run_scoped3A : memref<!tpu.dma_semaphore, #tpu.memory_space<semaphore_mem>>)
      tpu.wait_dma2 semaphore(%run_scoped3A : memref<!tpu.dma_semaphore, #tpu.memory_space<semaphore_mem>>) src(%arg7 : memref<640x16xf32, #tpu.memory_space<hbm>>) dst(%arg14 : memref<640x16xf32, #tpu.memory_space<vmem>>)
      tpu.yield
    }) : () -> ()
    %mul3A_1 = arith.constant 640 : i32
    %mul3A_2 = arith.muli %arg1, %mul3A_1 : i32
    "tpu.region"() ({
      %run_scoped3A = tpu.sem_alloc : memref<!tpu.dma_semaphore, #tpu.memory_space<semaphore_mem>>
      %dma_start3A = arith.constant 0 : i32
      %dma_start3A_38 = tpu.memref_slice %arg19[%mul3A_2, %dma_start3A] : memref<10240x128xf32, #tpu.memory_space<vmem_shared>> -> memref<640x128xf32, #tpu.memory_space<vmem_shared>>
      tpu.enqueue_dma source(%arg8 : memref<640x128xf32, #tpu.memory_space<hbm>>) target(%dma_start3A_38 : memref<640x128xf32, #tpu.memory_space<vmem_shared>>) target_semaphore(%run_scoped3A : memref<!tpu.dma_semaphore, #tpu.memory_space<semaphore_mem>>)
      %dma_wait3A = arith.constant 0 : i32
      %dma_wait3A_39 = tpu.memref_slice %arg19[%mul3A_2, %dma_wait3A] : memref<10240x128xf32, #tpu.memory_space<vmem_shared>> -> memref<640x128xf32, #tpu.memory_space<vmem_shared>>
      tpu.wait_dma2 semaphore(%run_scoped3A : memref<!tpu.dma_semaphore, #tpu.memory_space<semaphore_mem>>) src(%arg8 : memref<640x128xf32, #tpu.memory_space<hbm>>) dst(%dma_wait3A_39 : memref<640x128xf32, #tpu.memory_space<vmem_shared>>)
      tpu.yield
    }) : () -> ()
    %eq3A = arith.constant 0 : i32
    %eq3A_3 = arith.cmpi eq, %arg1, %eq3A : i32
    %convert_element_type3A = arith.extui %eq3A_3 : i1 to i32
    %cond3A = arith.constant 0 : i32
    %cond3A_4 = arith.cmpi ne, %convert_element_type3A, %cond3A : i32
    scf.if %cond3A_4 {
      "tpu.region"() ({
        %run_scoped3A = tpu.sem_alloc : memref<!tpu.dma_semaphore, #tpu.memory_space<semaphore_mem>>
        tpu.enqueue_dma source(%arg7 : memref<640x16xf32, #tpu.memory_space<hbm>>) target(%arg18 : memref<640x16xf32, #tpu.memory_space<vmem_shared>>) target_semaphore(%run_scoped3A : memref<!tpu.dma_semaphore, #tpu.memory_space<semaphore_mem>>)
        tpu.wait_dma2 semaphore(%run_scoped3A : memref<!tpu.dma_semaphore, #tpu.memory_space<semaphore_mem>>) src(%arg7 : memref<640x16xf32, #tpu.memory_space<hbm>>) dst(%arg18 : memref<640x16xf32, #tpu.memory_space<vmem_shared>>)
        tpu.yield
      }) : () -> ()
    } else {
    }
    %scan3A = arith.constant 0 : i32
    %scan3A_5 = arith.constant 0 : i32
    %scan3A_6 = arith.constant 40 : i32
    %scan3A_7 = arith.addi %scan3A_5, %scan3A_6 : i32
    %scan3A_8 = arith.constant 1 : i32
    %scan3A_9 = scf.for %scan3A_38 = %scan3A_5 to %scan3A_7 step %scan3A_8 iter_args(%scan3A_39 = %scan3A) -> (i32)  : i32 {
      %iota3A = tpu.iota {dimensions = array<i32: 0>} : vector<16xi32>
      %mul3A_40 = arith.constant 16 : i32
      %mul3A_41 = arith.muli %scan3A_38, %mul3A_40 : i32
      %add3A = vector.broadcast %mul3A_41 : i32 to vector<16xi32>
      %add3A_42 = arith.addi %iota3A, %add3A : vector<16xi32>
      %swap3A = arith.index_cast %scan3A_38 : i32 to index
      %swap3A_43 = arith.constant 0 : index
      %swap3A_44 = tpu.vector_load %arg17[%swap3A, %swap3A_43] {strides = array<i32>} : memref<40x16xi32, #tpu.memory_space<vmem>>, vector<16xi32>,
      tpu.vector_store %arg17[%swap3A, %swap3A_43], %add3A_42 {strides = array<i32>} : memref<40x16xi32, #tpu.memory_space<vmem>>, vector<16xi32>,
      %scan3A_45 = arith.constant 0 : i32
      scf.yield %scan3A_45 : i32
    }
    %scan3A_10 = arith.constant 40 : i32
    %scan3A_11 = arith.constant 0 : i32
    %scan3A_12 = arith.constant 0 : i32
    %scan3A_13 = arith.constant 25 : i32
    %scan3A_14 = arith.addi %scan3A_12, %scan3A_13 : i32
    %scan3A_15 = arith.constant 1 : i32
    %scan3A_16 = scf.for %scan3A_38 = %scan3A_12 to %scan3A_14 step %scan3A_15 iter_args(%scan3A_39 = %scan3A_11) -> (i32)  : i32 {
      %mul3A_40 = arith.constant 10000 : i32
      %mul3A_41 = arith.muli %arg1, %mul3A_40 : i32
      %mul3A_42 = arith.constant 400 : i32
      %mul3A_43 = arith.muli %scan3A_38, %mul3A_42 : i32
      %add3A = arith.addi %mul3A_41, %mul3A_43 : i32
      "tpu.region"() ({
        %run_scoped3A = tpu.sem_alloc : memref<!tpu.dma_semaphore, #tpu.memory_space<semaphore_mem>>
        %dma_start3A = tpu.memref_slice %arg5[%add3A] : memref<160000xi32, #tpu.memory_space<hbm>> -> memref<400xi32, #tpu.memory_space<hbm>>
        %dma_start3A_54 = tpu.memref_slice %arg5[%add3A] : memref<160000xi32, #tpu.memory_space<hbm>> -> memref<400xi32, #tpu.memory_space<hbm>>
        tpu.enqueue_dma source(%dma_start3A_54 : memref<400xi32, #tpu.memory_space<hbm>>) target(%arg10 : memref<400xi32, #tpu.memory_space<vmem>>) target_semaphore(%run_scoped3A : memref<!tpu.dma_semaphore, #tpu.memory_space<semaphore_mem>>)
        %dma_wait3A = tpu.memref_slice %arg5[%add3A] : memref<160000xi32, #tpu.memory_space<hbm>> -> memref<400xi32, #tpu.memory_space<hbm>>
        %dma_wait3A_55 = tpu.memref_slice %arg5[%add3A] : memref<160000xi32, #tpu.memory_space<hbm>> -> memref<400xi32, #tpu.memory_space<hbm>>
        tpu.wait_dma2 semaphore(%run_scoped3A : memref<!tpu.dma_semaphore, #tpu.memory_space<semaphore_mem>>) src(%dma_wait3A_55 : memref<400xi32, #tpu.memory_space<hbm>>) dst(%arg10 : memref<400xi32, #tpu.memory_space<vmem>>)
        tpu.yield
      }) : () -> ()
      %mul3A_44 = arith.constant 5 : i32
      %mul3A_45 = arith.muli %scan3A_38, %mul3A_44 : i32
      "tpu.region"() ({
        %run_scoped3A = tpu.sem_alloc : memref<!tpu.dma_semaphore, #tpu.memory_space<semaphore_mem>>
        %dma_start3A = arith.constant 0 : i32
        %dma_start3A_54 = tpu.memref_slice %arg6[%arg1, %mul3A_45, %dma_start3A] : memref<16x125x80xi32, #tpu.memory_space<hbm>> -> memref<1x5x80xi32, #tpu.memory_space<hbm>>
        %dma_start3A_55 = tpu.memref_squeeze %dma_start3A_54 : memref<1x5x80xi32, #tpu.memory_space<hbm>> -> memref<5x80xi32, #tpu.memory_space<hbm>>
        %dma_start3A_56 = arith.constant 0 : i32
        %dma_start3A_57 = tpu.memref_slice %arg6[%arg1, %mul3A_45, %dma_start3A_56] : memref<16x125x80xi32, #tpu.memory_space<hbm>> -> memref<1x5x80xi32, #tpu.memory_space<hbm>>
        %dma_start3A_58 = tpu.memref_squeeze %dma_start3A_57 : memref<1x5x80xi32, #tpu.memory_space<hbm>> -> memref<5x80xi32, #tpu.memory_space<hbm>>
        tpu.enqueue_dma source(%dma_start3A_58 : memref<5x80xi32, #tpu.memory_space<hbm>>) target(%arg11 : memref<5x80xi32, #tpu.memory_space<vmem>>) target_semaphore(%run_scoped3A : memref<!tpu.dma_semaphore, #tpu.memory_space<semaphore_mem>>)
        %dma_wait3A = arith.constant 0 : i32
        %dma_wait3A_59 = tpu.memref_slice %arg6[%arg1, %mul3A_45, %dma_wait3A] : memref<16x125x80xi32, #tpu.memory_space<hbm>> -> memref<1x5x80xi32, #tpu.memory_space<hbm>>
        %dma_wait3A_60 = tpu.memref_squeeze %dma_wait3A_59 : memref<1x5x80xi32, #tpu.memory_space<hbm>> -> memref<5x80xi32, #tpu.memory_space<hbm>>
        %dma_wait3A_61 = arith.constant 0 : i32
        %dma_wait3A_62 = tpu.memref_slice %arg6[%arg1, %mul3A_45, %dma_wait3A_61] : memref<16x125x80xi32, #tpu.memory_space<hbm>> -> memref<1x5x80xi32, #tpu.memory_space<hbm>>
        %dma_wait3A_63 = tpu.memref_squeeze %dma_wait3A_62 : memref<1x5x80xi32, #tpu.memory_space<hbm>> -> memref<5x80xi32, #tpu.memory_space<hbm>>
        tpu.wait_dma2 semaphore(%run_scoped3A : memref<!tpu.dma_semaphore, #tpu.memory_space<semaphore_mem>>) src(%dma_wait3A_63 : memref<5x80xi32, #tpu.memory_space<hbm>>) dst(%arg11 : memref<5x80xi32, #tpu.memory_space<vmem>>)
        tpu.yield
      }) : () -> ()
      %scan3A_46 = arith.constant 0 : i32
      %scan3A_47 = arith.constant 0 : i32
      %scan3A_48 = arith.constant 25 : i32
      %scan3A_49 = arith.addi %scan3A_47, %scan3A_48 : i32
      %scan3A_50 = arith.constant 1 : i32
      %scan3A_51 = scf.for %scan3A_54 = %scan3A_47 to %scan3A_49 step %scan3A_50 iter_args(%scan3A_55 = %scan3A_46) -> (i32)  : i32 {
        %mul3A_56 = arith.constant 16 : i32
        %mul3A_57 = arith.muli %scan3A_54, %mul3A_56 : i32
        %get3A = arith.index_cast %mul3A_57 : i32 to index
        %get3A_58 = tpu.vector_load %arg10[%get3A] {strides = array<i32>} : memref<400xi32, #tpu.memory_space<vmem>>, vector<16xi32>,
        %jit3A = arith.constant 5 : i32
        %div3A = arith.divsi %scan3A_54, %jit3A : i32
        %sign3A = arith.constant 0 : i32
        %sign3A_59 = arith.cmpi sgt, %scan3A_54, %sign3A : i32
        %sign3A_60 = arith.extui %sign3A_59 : i1 to i32
        %sign3A_61 = arith.constant 0 : i32
        %sign3A_62 = arith.cmpi slt, %scan3A_54, %sign3A_61 : i32
        %sign3A_63 = arith.extui %sign3A_62 : i1 to i32
        %sign3A_64 = arith.subi %sign3A_60, %sign3A_63 : i32
        %sign3A_65 = arith.constant 0 : i32
        %sign3A_66 = arith.cmpi sgt, %jit3A, %sign3A_65 : i32
        %sign3A_67 = arith.extui %sign3A_66 : i1 to i32
        %sign3A_68 = arith.constant 0 : i32
        %sign3A_69 = arith.cmpi slt, %jit3A, %sign3A_68 : i32
        %sign3A_70 = arith.extui %sign3A_69 : i1 to i32
        %sign3A_71 = arith.subi %sign3A_67, %sign3A_70 : i32
        %ne3A = arith.cmpi ne, %sign3A_64, %sign3A_71 : i32
        %rem3A = arith.remsi %scan3A_54, %jit3A : i32
        %ne3A_72 = arith.constant 0 : i32
        %ne3A_73 = arith.cmpi ne, %rem3A, %ne3A_72 : i32
        %and3A = arith.andi %ne3A, %ne3A_73 : i1
        %sub3A = arith.constant 1 : i32
        %sub3A_74 = arith.subi %div3A, %sub3A : i32
        %select_n3A = arith.select %and3A, %sub3A_74, %div3A : i32
        %jit3A_75 = arith.constant 5 : i32
        %eq3A_76 = arith.constant 0 : i32
        %eq3A_77 = arith.cmpi eq, %jit3A_75, %eq3A_76 : i32
        %jit3A_78 = arith.constant 1 : i32
        %select_n3A_79 = arith.select %eq3A_77, %jit3A_78, %jit3A_75 : i32
        %rem3A_80 = arith.remsi %scan3A_54, %select_n3A_79 : i32
        %ne3A_81 = arith.constant 0 : i32
        %ne3A_82 = arith.cmpi ne, %rem3A_80, %ne3A_81 : i32
        %lt3A = arith.constant 0 : i32
        %lt3A_83 = arith.cmpi slt, %rem3A_80, %lt3A : i32
        %lt3A_84 = arith.constant 0 : i32
        %lt3A_85 = arith.cmpi slt, %select_n3A_79, %lt3A_84 : i32
        %ne3A_86 = arith.xori %lt3A_83, %lt3A_85 : i1
        %and3A_87 = arith.andi %ne3A_86, %ne3A_82 : i1
        %add3A_88 = arith.addi %rem3A_80, %select_n3A_79 : i32
        %select_n3A_89 = arith.select %and3A_87, %add3A_88, %rem3A_80 : i32
        %mul3A_90 = arith.constant 16 : i32
        %mul3A_91 = arith.muli %select_n3A_89, %mul3A_90 : i32
        %get3A_92 = arith.index_cast %select_n3A : i32 to index
        %get3A_93 = arith.index_cast %mul3A_91 : i32 to index
        %get3A_94 = tpu.vector_load %arg11[%get3A_92, %get3A_93] {strides = array<i32>} : memref<5x80xi32, #tpu.memory_space<vmem>>, vector<16xi32>,
        %gather3A = tpu.vector_load_idx %arg12[%get3A_58] : memref<10240xf32, #tpu.memory_space<vmem>>[vector<16xi32>], vector<16xf32>,
        %gather3A_95 = tpu.vector_load_idx %arg13[%get3A_94] : memref<10240xf32, #tpu.memory_space<vmem>>[vector<16xi32>], vector<16xf32>,
        %add3A_96 = arith.addf %gather3A, %gather3A_95 : vector<16xf32>
        %gt3A = arith.constant 0.000000e+00 : f32
        %gt3A_97 = vector.broadcast %gt3A : f32 to vector<16xf32>
        %gt3A_98 = arith.cmpf ogt, %add3A_96, %gt3A_97 : vector<16xf32>
        %mul3A_99 = arith.constant 2.000000e-01 : f32
        %mul3A_100 = vector.broadcast %mul3A_99 : f32 to vector<16xf32>
        %mul3A_101 = arith.mulf %mul3A_100, %add3A_96 : vector<16xf32>
        %select_n3A_102 = arith.select %gt3A_98, %add3A_96, %mul3A_101 : vector<16xi1>, vector<16xf32>
        %exp3A = math.exp %select_n3A_102 : vector<16xf32>
        %shift_right_logical3A = arith.constant 4 : i32
        %shift_right_logical3A_103 = vector.broadcast %shift_right_logical3A : i32 to vector<16xi32>
        %shift_right_logical3A_104 = arith.shrui %get3A_94, %shift_right_logical3A_103 : vector<16xi32>
        %and3A_105 = arith.constant 15 : i32
        %and3A_106 = vector.broadcast %and3A_105 : i32 to vector<16xi32>
        %and3A_107 = arith.andi %get3A_94, %and3A_106 : vector<16xi32>
        tpu.vector_store_idx %arg14[%shift_right_logical3A_104, %and3A_107], %exp3A {add = true} : memref<640x16xf32, #tpu.memory_space<vmem>>[vector<16xi32>, vector<16xi32>], vector<16xf32>,
        %scan3A_108 = arith.constant 0 : i32
        scf.yield %scan3A_108 : i32
      }
      %scan3A_52 = arith.constant 25 : i32
      %scan3A_53 = arith.constant 0 : i32
      scf.yield %scan3A_53 : i32
    }
    %scan3A_17 = arith.constant 25 : i32
    %barrier3A = arith.constant 0 : index
    tpu.barrier barrier_id(%barrier3A)
    %scan3A_18 = arith.constant 0 : i32
    %scan3A_19 = arith.constant 0 : i32
    %scan3A_20 = arith.constant 40 : i32
    %scan3A_21 = arith.addi %scan3A_19, %scan3A_20 : i32
    %scan3A_22 = arith.constant 1 : i32
    %scan3A_23 = scf.for %scan3A_38 = %scan3A_19 to %scan3A_21 step %scan3A_22 iter_args(%scan3A_39 = %scan3A_18) -> (i32)  : i32 {
      %mul3A_40 = arith.constant 16 : i32
      %mul3A_41 = arith.muli %scan3A_38, %mul3A_40 : i32
      "tpu.region"() ({
        %run_scoped3A = tpu.sem_alloc : memref<!tpu.dma_semaphore, #tpu.memory_space<semaphore_mem>>
        %dma_start3A = arith.constant 0 : i32
        %dma_start3A_43 = tpu.memref_slice %arg14[%mul3A_41, %dma_start3A] : memref<640x16xf32, #tpu.memory_space<vmem>> -> memref<16x16xf32, #tpu.memory_space<vmem>>
        %dma_start3A_44 = arith.constant 0 : i32
        %dma_start3A_45 = tpu.memref_slice %arg17[%scan3A_38, %dma_start3A_44] : memref<40x16xi32, #tpu.memory_space<vmem>> -> memref<1x16xi32, #tpu.memory_space<vmem>>
        %dma_start3A_46 = tpu.memref_squeeze %dma_start3A_45 : memref<1x16xi32, #tpu.memory_space<vmem>> -> memref<16xi32, #tpu.memory_space<vmem>>
        %dma_start3A_47 = arith.constant 0 : i32
        %dma_start3A_48 = arith.constant 0 : i32
        %dma_start3A_49 = tpu.memref_slice %arg18[%dma_start3A_47, %dma_start3A_48] : memref<640x16xf32, #tpu.memory_space<vmem_shared>> -> memref<640x16xf32, #tpu.memory_space<vmem_shared>>
        tpu.enqueue_indirect_dma source(%dma_start3A_43 : memref<16x16xf32, #tpu.memory_space<vmem>>) target(%dma_start3A_49 : memref<640x16xf32, #tpu.memory_space<vmem_shared>>) offsets(%dma_start3A_46 : memref<16xi32, #tpu.memory_space<vmem>>) semaphore(%run_scoped3A : memref<!tpu.dma_semaphore, #tpu.memory_space<semaphore_mem>>) {add = true}
        %dma_wait3A = arith.constant 0 : i32
        %dma_wait3A_50 = tpu.memref_slice %arg14[%mul3A_41, %dma_wait3A] : memref<640x16xf32, #tpu.memory_space<vmem>> -> memref<16x16xf32, #tpu.memory_space<vmem>>
        %dma_wait3A_51 = arith.constant 0 : i32
        %dma_wait3A_52 = tpu.memref_slice %arg17[%scan3A_38, %dma_wait3A_51] : memref<40x16xi32, #tpu.memory_space<vmem>> -> memref<1x16xi32, #tpu.memory_space<vmem>>
        %dma_wait3A_53 = tpu.memref_squeeze %dma_wait3A_52 : memref<1x16xi32, #tpu.memory_space<vmem>> -> memref<16xi32, #tpu.memory_space<vmem>>
        %dma_wait3A_54 = arith.constant 0 : i32
        %dma_wait3A_55 = arith.constant 0 : i32
        %dma_wait3A_56 = tpu.memref_slice %arg18[%dma_wait3A_54, %dma_wait3A_55] : memref<640x16xf32, #tpu.memory_space<vmem_shared>> -> memref<640x16xf32, #tpu.memory_space<vmem_shared>>
        tpu.wait_indirect_dma semaphore(%run_scoped3A : memref<!tpu.dma_semaphore, #tpu.memory_space<semaphore_mem>>) src(%dma_wait3A_50 : memref<16x16xf32, #tpu.memory_space<vmem>>) dst(%dma_wait3A_56 : memref<640x16xf32, #tpu.memory_space<vmem_shared>>)
        tpu.yield
      }) : () -> ()
      %scan3A_42 = arith.constant 0 : i32
      scf.yield %scan3A_42 : i32
    }
    %scan3A_24 = arith.constant 40 : i32
    %barrier3A_25 = arith.constant 0 : index
    tpu.barrier barrier_id(%barrier3A_25)
    "tpu.region"() ({
      %run_scoped3A = tpu.sem_alloc : memref<!tpu.dma_semaphore, #tpu.memory_space<semaphore_mem>>
      tpu.enqueue_dma source(%arg18 : memref<640x16xf32, #tpu.memory_space<vmem_shared>>) target(%arg14 : memref<640x16xf32, #tpu.memory_space<vmem>>) target_semaphore(%run_scoped3A : memref<!tpu.dma_semaphore, #tpu.memory_space<semaphore_mem>>)
      tpu.wait_dma2 semaphore(%run_scoped3A : memref<!tpu.dma_semaphore, #tpu.memory_space<semaphore_mem>>) src(%arg18 : memref<640x16xf32, #tpu.memory_space<vmem_shared>>) dst(%arg14 : memref<640x16xf32, #tpu.memory_space<vmem>>)
      tpu.yield
    }) : () -> ()
    %scan3A_26 = arith.constant 0 : i32
    %scan3A_27 = arith.constant 0 : i32
    %scan3A_28 = arith.constant 25 : i32
    %scan3A_29 = arith.addi %scan3A_27, %scan3A_28 : i32
    %scan3A_30 = arith.constant 1 : i32
    %scan3A_31 = scf.for %scan3A_38 = %scan3A_27 to %scan3A_29 step %scan3A_30 iter_args(%scan3A_39 = %scan3A_26) -> (i32)  : i32 {
      %mul3A_40 = arith.constant 10000 : i32
      %mul3A_41 = arith.muli %arg1, %mul3A_40 : i32
      %mul3A_42 = arith.constant 400 : i32
      %mul3A_43 = arith.muli %scan3A_38, %mul3A_42 : i32
      %add3A = arith.addi %mul3A_41, %mul3A_43 : i32
      "tpu.region"() ({
        %run_scoped3A = tpu.sem_alloc : memref<!tpu.dma_semaphore, #tpu.memory_space<semaphore_mem>>
        %dma_start3A = tpu.memref_slice %arg5[%add3A] : memref<160000xi32, #tpu.memory_space<hbm>> -> memref<400xi32, #tpu.memory_space<hbm>>
        %dma_start3A_61 = tpu.memref_slice %arg5[%add3A] : memref<160000xi32, #tpu.memory_space<hbm>> -> memref<400xi32, #tpu.memory_space<hbm>>
        tpu.enqueue_dma source(%dma_start3A_61 : memref<400xi32, #tpu.memory_space<hbm>>) target(%arg10 : memref<400xi32, #tpu.memory_space<vmem>>) target_semaphore(%run_scoped3A : memref<!tpu.dma_semaphore, #tpu.memory_space<semaphore_mem>>)
        %dma_wait3A = tpu.memref_slice %arg5[%add3A] : memref<160000xi32, #tpu.memory_space<hbm>> -> memref<400xi32, #tpu.memory_space<hbm>>
        %dma_wait3A_62 = tpu.memref_slice %arg5[%add3A] : memref<160000xi32, #tpu.memory_space<hbm>> -> memref<400xi32, #tpu.memory_space<hbm>>
        tpu.wait_dma2 semaphore(%run_scoped3A : memref<!tpu.dma_semaphore, #tpu.memory_space<semaphore_mem>>) src(%dma_wait3A_62 : memref<400xi32, #tpu.memory_space<hbm>>) dst(%arg10 : memref<400xi32, #tpu.memory_space<vmem>>)
        tpu.yield
      }) : () -> ()
      %mul3A_44 = arith.constant 5 : i32
      %mul3A_45 = arith.muli %scan3A_38, %mul3A_44 : i32
      "tpu.region"() ({
        %run_scoped3A = tpu.sem_alloc : memref<!tpu.dma_semaphore, #tpu.memory_space<semaphore_mem>>
        %dma_start3A = arith.constant 0 : i32
        %dma_start3A_61 = tpu.memref_slice %arg6[%arg1, %mul3A_45, %dma_start3A] : memref<16x125x80xi32, #tpu.memory_space<hbm>> -> memref<1x5x80xi32, #tpu.memory_space<hbm>>
        %dma_start3A_62 = tpu.memref_squeeze %dma_start3A_61 : memref<1x5x80xi32, #tpu.memory_space<hbm>> -> memref<5x80xi32, #tpu.memory_space<hbm>>
        %dma_start3A_63 = arith.constant 0 : i32
        %dma_start3A_64 = tpu.memref_slice %arg6[%arg1, %mul3A_45, %dma_start3A_63] : memref<16x125x80xi32, #tpu.memory_space<hbm>> -> memref<1x5x80xi32, #tpu.memory_space<hbm>>
        %dma_start3A_65 = tpu.memref_squeeze %dma_start3A_64 : memref<1x5x80xi32, #tpu.memory_space<hbm>> -> memref<5x80xi32, #tpu.memory_space<hbm>>
        tpu.enqueue_dma source(%dma_start3A_65 : memref<5x80xi32, #tpu.memory_space<hbm>>) target(%arg11 : memref<5x80xi32, #tpu.memory_space<vmem>>) target_semaphore(%run_scoped3A : memref<!tpu.dma_semaphore, #tpu.memory_space<semaphore_mem>>)
        %dma_wait3A = arith.constant 0 : i32
        %dma_wait3A_66 = tpu.memref_slice %arg6[%arg1, %mul3A_45, %dma_wait3A] : memref<16x125x80xi32, #tpu.memory_space<hbm>> -> memref<1x5x80xi32, #tpu.memory_space<hbm>>
        %dma_wait3A_67 = tpu.memref_squeeze %dma_wait3A_66 : memref<1x5x80xi32, #tpu.memory_space<hbm>> -> memref<5x80xi32, #tpu.memory_space<hbm>>
        %dma_wait3A_68 = arith.constant 0 : i32
        %dma_wait3A_69 = tpu.memref_slice %arg6[%arg1, %mul3A_45, %dma_wait3A_68] : memref<16x125x80xi32, #tpu.memory_space<hbm>> -> memref<1x5x80xi32, #tpu.memory_space<hbm>>
        %dma_wait3A_70 = tpu.memref_squeeze %dma_wait3A_69 : memref<1x5x80xi32, #tpu.memory_space<hbm>> -> memref<5x80xi32, #tpu.memory_space<hbm>>
        tpu.wait_dma2 semaphore(%run_scoped3A : memref<!tpu.dma_semaphore, #tpu.memory_space<semaphore_mem>>) src(%dma_wait3A_70 : memref<5x80xi32, #tpu.memory_space<hbm>>) dst(%arg11 : memref<5x80xi32, #tpu.memory_space<vmem>>)
        tpu.yield
      }) : () -> ()
      %scan3A_46 = arith.constant 0 : i32
      %scan3A_47 = arith.constant 0 : i32
      %scan3A_48 = arith.constant 25 : i32
      %scan3A_49 = arith.addi %scan3A_47, %scan3A_48 : i32
      %scan3A_50 = arith.constant 1 : i32
      %scan3A_51 = scf.for %scan3A_61 = %scan3A_47 to %scan3A_49 step %scan3A_50 iter_args(%scan3A_62 = %scan3A_46) -> (i32)  : i32 {
        %mul3A_63 = arith.constant 16 : i32
        %mul3A_64 = arith.muli %scan3A_61, %mul3A_63 : i32
        %get3A = arith.index_cast %mul3A_64 : i32 to index
        %get3A_65 = tpu.vector_load %arg10[%get3A] {strides = array<i32>} : memref<400xi32, #tpu.memory_space<vmem>>, vector<16xi32>,
        %add3A_66 = vector.broadcast %mul3A_0 : i32 to vector<16xi32>
        %add3A_67 = arith.addi %get3A_65, %add3A_66 : vector<16xi32>
        %mul3A_68 = arith.constant 16 : i32
        %mul3A_69 = arith.muli %scan3A_61, %mul3A_68 : i32
        %swap3A = arith.index_cast %mul3A_69 : i32 to index
        %swap3A_70 = tpu.vector_load %arg10[%swap3A] {strides = array<i32>} : memref<400xi32, #tpu.memory_space<vmem>>, vector<16xi32>,
        tpu.vector_store %arg10[%swap3A], %add3A_67 {strides = array<i32>} : memref<400xi32, #tpu.memory_space<vmem>>, vector<16xi32>,
        %scan3A_71 = arith.constant 0 : i32
        scf.yield %scan3A_71 : i32
      }
      %scan3A_52 = arith.constant 25 : i32
      %scan3A_53 = arith.constant 0 : i32
      %scan3A_54 = arith.constant 0 : i32
      %scan3A_55 = arith.constant 5 : i32
      %scan3A_56 = arith.addi %scan3A_54, %scan3A_55 : i32
      %scan3A_57 = arith.constant 1 : i32
      %scan3A_58 = scf.for %scan3A_61 = %scan3A_54 to %scan3A_56 step %scan3A_57 iter_args(%scan3A_62 = %scan3A_53) -> (i32)  : i32 {
        %mul3A_63 = arith.constant 80 : i32
        %mul3A_64 = arith.muli %scan3A_61, %mul3A_63 : i32
        %dma_start3A = tpu.memref_slice %arg10[%mul3A_64] : memref<400xi32, #tpu.memory_space<vmem>> -> memref<80xi32, #tpu.memory_space<vmem>>
        %dma_start3A_65 = arith.constant 0 : i32
        %dma_start3A_66 = arith.constant 0 : i32
        %dma_start3A_67 = tpu.memref_slice %arg2[%dma_start3A_65, %dma_start3A_66] : memref<20480x128xf32, #tpu.memory_space<hbm>> -> memref<20480x128xf32, #tpu.memory_space<hbm>>
        tpu.enqueue_indirect_dma source(%dma_start3A_67 : memref<20480x128xf32, #tpu.memory_space<hbm>>) target(%arg15 : memref<80x128xf32, #tpu.memory_space<vmem>>) offsets(%dma_start3A : memref<80xi32, #tpu.memory_space<vmem>>) semaphore(%arg20 : memref<!tpu.dma_semaphore, #tpu.memory_space<semaphore_mem>>)
        %dma_wait3A = tpu.memref_slice %arg10[%mul3A_64] : memref<400xi32, #tpu.memory_space<vmem>> -> memref<80xi32, #tpu.memory_space<vmem>>
        %dma_wait3A_68 = arith.constant 0 : i32
        %dma_wait3A_69 = arith.constant 0 : i32
        %dma_wait3A_70 = tpu.memref_slice %arg2[%dma_wait3A_68, %dma_wait3A_69] : memref<20480x128xf32, #tpu.memory_space<hbm>> -> memref<20480x128xf32, #tpu.memory_space<hbm>>
        tpu.wait_indirect_dma semaphore(%arg20 : memref<!tpu.dma_semaphore, #tpu.memory_space<semaphore_mem>>) src(%dma_wait3A_70 : memref<20480x128xf32, #tpu.memory_space<hbm>>) dst(%arg15 : memref<80x128xf32, #tpu.memory_space<vmem>>)
        %parallel_loop3A = arith.constant 0 : i32
        %parallel_loop3A_71 = arith.constant 5 : i32
        %parallel_loop3A_72 = arith.constant 1 : i32
        scf.for %parallel_loop3A_77 = %parallel_loop3A to %parallel_loop3A_71 step %parallel_loop3A_72  : i32 {
          %parallel_loop3A_78 = arith.constant 5 : i32
          %parallel_loop3A_79 = arith.muli %scan3A_61, %parallel_loop3A_78 : i32
          %parallel_loop3A_80 = arith.addi %parallel_loop3A_79, %parallel_loop3A_77 : i32
          %parallel_loop3A_81 = arith.constant 16 : i32
          %parallel_loop3A_82 = arith.muli %parallel_loop3A_80, %parallel_loop3A_81 : i32
          %parallel_loop3A_83 = arith.index_cast %parallel_loop3A_82 : i32 to index
          %parallel_loop3A_84 = tpu.vector_load %arg10[%parallel_loop3A_83] {strides = array<i32>} : memref<400xi32, #tpu.memory_space<vmem>>, vector<16xi32>,
          %parallel_loop3A_85 = vector.broadcast %mul3A_0 : i32 to vector<16xi32>
          %parallel_loop3A_86 = arith.subi %parallel_loop3A_84, %parallel_loop3A_85 : vector<16xi32>
          %parallel_loop3A_87 = arith.constant 5 : i32
          %parallel_loop3A_88 = arith.divsi %parallel_loop3A_80, %parallel_loop3A_87 : i32
          %parallel_loop3A_89 = arith.constant 0 : i32
          %parallel_loop3A_90 = arith.cmpi sgt, %parallel_loop3A_80, %parallel_loop3A_89 : i32
          %parallel_loop3A_91 = arith.extui %parallel_loop3A_90 : i1 to i32
          %parallel_loop3A_92 = arith.constant 0 : i32
          %parallel_loop3A_93 = arith.cmpi slt, %parallel_loop3A_80, %parallel_loop3A_92 : i32
          %parallel_loop3A_94 = arith.extui %parallel_loop3A_93 : i1 to i32
          %parallel_loop3A_95 = arith.subi %parallel_loop3A_91, %parallel_loop3A_94 : i32
          %parallel_loop3A_96 = arith.constant 0 : i32
          %parallel_loop3A_97 = arith.cmpi sgt, %parallel_loop3A_87, %parallel_loop3A_96 : i32
          %parallel_loop3A_98 = arith.extui %parallel_loop3A_97 : i1 to i32
          %parallel_loop3A_99 = arith.constant 0 : i32
          %parallel_loop3A_100 = arith.cmpi slt, %parallel_loop3A_87, %parallel_loop3A_99 : i32
          %parallel_loop3A_101 = arith.extui %parallel_loop3A_100 : i1 to i32
          %parallel_loop3A_102 = arith.subi %parallel_loop3A_98, %parallel_loop3A_101 : i32
          %parallel_loop3A_103 = arith.cmpi ne, %parallel_loop3A_95, %parallel_loop3A_102 : i32
          %parallel_loop3A_104 = arith.remsi %parallel_loop3A_80, %parallel_loop3A_87 : i32
          %parallel_loop3A_105 = arith.constant 0 : i32
          %parallel_loop3A_106 = arith.cmpi ne, %parallel_loop3A_104, %parallel_loop3A_105 : i32
          %parallel_loop3A_107 = arith.andi %parallel_loop3A_103, %parallel_loop3A_106 : i1
          %parallel_loop3A_108 = arith.constant 1 : i32
          %parallel_loop3A_109 = arith.subi %parallel_loop3A_88, %parallel_loop3A_108 : i32
          %parallel_loop3A_110 = arith.select %parallel_loop3A_107, %parallel_loop3A_109, %parallel_loop3A_88 : i32
          %parallel_loop3A_111 = arith.constant 5 : i32
          %parallel_loop3A_112 = arith.constant 0 : i32
          %parallel_loop3A_113 = arith.cmpi eq, %parallel_loop3A_111, %parallel_loop3A_112 : i32
          %parallel_loop3A_114 = arith.constant 1 : i32
          %parallel_loop3A_115 = arith.select %parallel_loop3A_113, %parallel_loop3A_114, %parallel_loop3A_111 : i32
          %parallel_loop3A_116 = arith.remsi %parallel_loop3A_80, %parallel_loop3A_115 : i32
          %parallel_loop3A_117 = arith.constant 0 : i32
          %parallel_loop3A_118 = arith.cmpi ne, %parallel_loop3A_116, %parallel_loop3A_117 : i32
          %parallel_loop3A_119 = arith.constant 0 : i32
          %parallel_loop3A_120 = arith.cmpi slt, %parallel_loop3A_116, %parallel_loop3A_119 : i32
          %parallel_loop3A_121 = arith.constant 0 : i32
          %parallel_loop3A_122 = arith.cmpi slt, %parallel_loop3A_115, %parallel_loop3A_121 : i32
          %parallel_loop3A_123 = arith.xori %parallel_loop3A_120, %parallel_loop3A_122 : i1
          %parallel_loop3A_124 = arith.andi %parallel_loop3A_123, %parallel_loop3A_118 : i1
          %parallel_loop3A_125 = arith.addi %parallel_loop3A_116, %parallel_loop3A_115 : i32
          %parallel_loop3A_126 = arith.select %parallel_loop3A_124, %parallel_loop3A_125, %parallel_loop3A_116 : i32
          %parallel_loop3A_127 = arith.constant 16 : i32
          %parallel_loop3A_128 = arith.muli %parallel_loop3A_126, %parallel_loop3A_127 : i32
          %parallel_loop3A_129 = arith.index_cast %parallel_loop3A_110 : i32 to index
          %parallel_loop3A_130 = arith.index_cast %parallel_loop3A_128 : i32 to index
          %parallel_loop3A_131 = tpu.vector_load %arg11[%parallel_loop3A_129, %parallel_loop3A_130] {strides = array<i32>} : memref<5x80xi32, #tpu.memory_space<vmem>>, vector<16xi32>,
          %parallel_loop3A_132 = tpu.vector_load_idx %arg12[%parallel_loop3A_86] : memref<10240xf32, #tpu.memory_space<vmem>>[vector<16xi32>], vector<16xf32>,
          %parallel_loop3A_133 = tpu.vector_load_idx %arg13[%parallel_loop3A_131] : memref<10240xf32, #tpu.memory_space<vmem>>[vector<16xi32>], vector<16xf32>,
          %parallel_loop3A_134 = arith.addf %parallel_loop3A_132, %parallel_loop3A_133 : vector<16xf32>
          %parallel_loop3A_135 = arith.constant 0.000000e+00 : f32
          %parallel_loop3A_136 = vector.broadcast %parallel_loop3A_135 : f32 to vector<16xf32>
          %parallel_loop3A_137 = arith.cmpf ogt, %parallel_loop3A_134, %parallel_loop3A_136 : vector<16xf32>
          %parallel_loop3A_138 = arith.constant 2.000000e-01 : f32
          %parallel_loop3A_139 = vector.broadcast %parallel_loop3A_138 : f32 to vector<16xf32>
          %parallel_loop3A_140 = arith.mulf %parallel_loop3A_139, %parallel_loop3A_134 : vector<16xf32>
          %parallel_loop3A_141 = arith.select %parallel_loop3A_137, %parallel_loop3A_134, %parallel_loop3A_140 : vector<16xi1>, vector<16xf32>
          %parallel_loop3A_142 = math.exp %parallel_loop3A_141 : vector<16xf32>
          %parallel_loop3A_143 = arith.constant 4 : i32
          %parallel_loop3A_144 = vector.broadcast %parallel_loop3A_143 : i32 to vector<16xi32>
          %parallel_loop3A_145 = arith.shrui %parallel_loop3A_131, %parallel_loop3A_144 : vector<16xi32>
          %parallel_loop3A_146 = arith.constant 15 : i32
          %parallel_loop3A_147 = vector.broadcast %parallel_loop3A_146 : i32 to vector<16xi32>
          %parallel_loop3A_148 = arith.andi %parallel_loop3A_131, %parallel_loop3A_147 : vector<16xi32>
          %parallel_loop3A_149 = tpu.vector_load_idx %arg14[%parallel_loop3A_145, %parallel_loop3A_148] : memref<640x16xf32, #tpu.memory_space<vmem>>[vector<16xi32>, vector<16xi32>], vector<16xf32>,
          %parallel_loop3A_150 = arith.constant 1.000000e-16 : f32
          %parallel_loop3A_151 = vector.broadcast %parallel_loop3A_150 : f32 to vector<16xf32>
          %parallel_loop3A_152 = arith.addf %parallel_loop3A_149, %parallel_loop3A_151 : vector<16xf32>
          %parallel_loop3A_153 = arith.divf %parallel_loop3A_142, %parallel_loop3A_152 : vector<16xf32>
          %parallel_loop3A_154 = arith.constant 16 : i32
          %parallel_loop3A_155 = arith.muli %parallel_loop3A_77, %parallel_loop3A_154 : i32
          %parallel_loop3A_156 = arith.index_cast %parallel_loop3A_155 : i32 to index
          %parallel_loop3A_157 = tpu.vector_load %arg16[%parallel_loop3A_156] {strides = array<i32>} : memref<80xf32, #tpu.memory_space<vmem>>, vector<16xf32>,
          tpu.vector_store %arg16[%parallel_loop3A_156], %parallel_loop3A_153 {strides = array<i32>} : memref<80xf32, #tpu.memory_space<vmem>>, vector<16xf32>,
        } {sc.loop_unroll_factor = 1 : i64, sc.parallel_access}
        %parallel_loop3A_73 = arith.constant 0 : i32
        %parallel_loop3A_74 = arith.constant 80 : i32
        %parallel_loop3A_75 = arith.constant 1 : i32
        scf.for %parallel_loop3A_77 = %parallel_loop3A_73 to %parallel_loop3A_74 step %parallel_loop3A_75  : i32 {
          %parallel_loop3A_78 = vector.broadcast %parallel_loop3A_77 : i32 to vector<16xi32>
          %parallel_loop3A_79 = tpu.vector_load_idx %arg16[%parallel_loop3A_78] : memref<80xf32, #tpu.memory_space<vmem>>[vector<16xi32>], vector<16xf32>,
          %parallel_loop3A_80 = arith.index_cast %parallel_loop3A_77 : i32 to index
          %parallel_loop3A_81 = arith.constant 0 : index
          %parallel_loop3A_82 = tpu.vector_load %arg15[%parallel_loop3A_80, %parallel_loop3A_81] {strides = array<i32>} : memref<80x128xf32, #tpu.memory_space<vmem>>, vector<16xf32>,
          %parallel_loop3A_83 = arith.mulf %parallel_loop3A_82, %parallel_loop3A_79 : vector<16xf32>
          %parallel_loop3A_84 = arith.index_cast %parallel_loop3A_77 : i32 to index
          %parallel_loop3A_85 = arith.constant 0 : index
          %parallel_loop3A_86 = tpu.vector_load %arg15[%parallel_loop3A_84, %parallel_loop3A_85] {strides = array<i32>} : memref<80x128xf32, #tpu.memory_space<vmem>>, vector<16xf32>,
          tpu.vector_store %arg15[%parallel_loop3A_84, %parallel_loop3A_85], %parallel_loop3A_83 {strides = array<i32>} : memref<80x128xf32, #tpu.memory_space<vmem>>, vector<16xf32>,
          %parallel_loop3A_87 = arith.index_cast %parallel_loop3A_77 : i32 to index
          %parallel_loop3A_88 = arith.constant 16 : index
          %parallel_loop3A_89 = tpu.vector_load %arg15[%parallel_loop3A_87, %parallel_loop3A_88] {strides = array<i32>} : memref<80x128xf32, #tpu.memory_space<vmem>>, vector<16xf32>,
          %parallel_loop3A_90 = arith.mulf %parallel_loop3A_89, %parallel_loop3A_79 : vector<16xf32>
          %parallel_loop3A_91 = arith.index_cast %parallel_loop3A_77 : i32 to index
          %parallel_loop3A_92 = arith.constant 16 : index
          %parallel_loop3A_93 = tpu.vector_load %arg15[%parallel_loop3A_91, %parallel_loop3A_92] {strides = array<i32>} : memref<80x128xf32, #tpu.memory_space<vmem>>, vector<16xf32>,
          tpu.vector_store %arg15[%parallel_loop3A_91, %parallel_loop3A_92], %parallel_loop3A_90 {strides = array<i32>} : memref<80x128xf32, #tpu.memory_space<vmem>>, vector<16xf32>,
          %parallel_loop3A_94 = arith.index_cast %parallel_loop3A_77 : i32 to index
          %parallel_loop3A_95 = arith.constant 32 : index
          %parallel_loop3A_96 = tpu.vector_load %arg15[%parallel_loop3A_94, %parallel_loop3A_95] {strides = array<i32>} : memref<80x128xf32, #tpu.memory_space<vmem>>, vector<16xf32>,
          %parallel_loop3A_97 = arith.mulf %parallel_loop3A_96, %parallel_loop3A_79 : vector<16xf32>
          %parallel_loop3A_98 = arith.index_cast %parallel_loop3A_77 : i32 to index
          %parallel_loop3A_99 = arith.constant 32 : index
          %parallel_loop3A_100 = tpu.vector_load %arg15[%parallel_loop3A_98, %parallel_loop3A_99] {strides = array<i32>} : memref<80x128xf32, #tpu.memory_space<vmem>>, vector<16xf32>,
          tpu.vector_store %arg15[%parallel_loop3A_98, %parallel_loop3A_99], %parallel_loop3A_97 {strides = array<i32>} : memref<80x128xf32, #tpu.memory_space<vmem>>, vector<16xf32>,
          %parallel_loop3A_101 = arith.index_cast %parallel_loop3A_77 : i32 to index
          %parallel_loop3A_102 = arith.constant 48 : index
          %parallel_loop3A_103 = tpu.vector_load %arg15[%parallel_loop3A_101, %parallel_loop3A_102] {strides = array<i32>} : memref<80x128xf32, #tpu.memory_space<vmem>>, vector<16xf32>,
          %parallel_loop3A_104 = arith.mulf %parallel_loop3A_103, %parallel_loop3A_79 : vector<16xf32>
          %parallel_loop3A_105 = arith.index_cast %parallel_loop3A_77 : i32 to index
          %parallel_loop3A_106 = arith.constant 48 : index
          %parallel_loop3A_107 = tpu.vector_load %arg15[%parallel_loop3A_105, %parallel_loop3A_106] {strides = array<i32>} : memref<80x128xf32, #tpu.memory_space<vmem>>, vector<16xf32>,
          tpu.vector_store %arg15[%parallel_loop3A_105, %parallel_loop3A_106], %parallel_loop3A_104 {strides = array<i32>} : memref<80x128xf32, #tpu.memory_space<vmem>>, vector<16xf32>,
          %parallel_loop3A_108 = arith.index_cast %parallel_loop3A_77 : i32 to index
          %parallel_loop3A_109 = arith.constant 64 : index
          %parallel_loop3A_110 = tpu.vector_load %arg15[%parallel_loop3A_108, %parallel_loop3A_109] {strides = array<i32>} : memref<80x128xf32, #tpu.memory_space<vmem>>, vector<16xf32>,
          %parallel_loop3A_111 = arith.mulf %parallel_loop3A_110, %parallel_loop3A_79 : vector<16xf32>
          %parallel_loop3A_112 = arith.index_cast %parallel_loop3A_77 : i32 to index
          %parallel_loop3A_113 = arith.constant 64 : index
          %parallel_loop3A_114 = tpu.vector_load %arg15[%parallel_loop3A_112, %parallel_loop3A_113] {strides = array<i32>} : memref<80x128xf32, #tpu.memory_space<vmem>>, vector<16xf32>,
          tpu.vector_store %arg15[%parallel_loop3A_112, %parallel_loop3A_113], %parallel_loop3A_111 {strides = array<i32>} : memref<80x128xf32, #tpu.memory_space<vmem>>, vector<16xf32>,
          %parallel_loop3A_115 = arith.index_cast %parallel_loop3A_77 : i32 to index
          %parallel_loop3A_116 = arith.constant 80 : index
          %parallel_loop3A_117 = tpu.vector_load %arg15[%parallel_loop3A_115, %parallel_loop3A_116] {strides = array<i32>} : memref<80x128xf32, #tpu.memory_space<vmem>>, vector<16xf32>,
          %parallel_loop3A_118 = arith.mulf %parallel_loop3A_117, %parallel_loop3A_79 : vector<16xf32>
          %parallel_loop3A_119 = arith.index_cast %parallel_loop3A_77 : i32 to index
          %parallel_loop3A_120 = arith.constant 80 : index
          %parallel_loop3A_121 = tpu.vector_load %arg15[%parallel_loop3A_119, %parallel_loop3A_120] {strides = array<i32>} : memref<80x128xf32, #tpu.memory_space<vmem>>, vector<16xf32>,
          tpu.vector_store %arg15[%parallel_loop3A_119, %parallel_loop3A_120], %parallel_loop3A_118 {strides = array<i32>} : memref<80x128xf32, #tpu.memory_space<vmem>>, vector<16xf32>,
          %parallel_loop3A_122 = arith.index_cast %parallel_loop3A_77 : i32 to index
          %parallel_loop3A_123 = arith.constant 96 : index
          %parallel_loop3A_124 = tpu.vector_load %arg15[%parallel_loop3A_122, %parallel_loop3A_123] {strides = array<i32>} : memref<80x128xf32, #tpu.memory_space<vmem>>, vector<16xf32>,
          %parallel_loop3A_125 = arith.mulf %parallel_loop3A_124, %parallel_loop3A_79 : vector<16xf32>
          %parallel_loop3A_126 = arith.index_cast %parallel_loop3A_77 : i32 to index
          %parallel_loop3A_127 = arith.constant 96 : index
          %parallel_loop3A_128 = tpu.vector_load %arg15[%parallel_loop3A_126, %parallel_loop3A_127] {strides = array<i32>} : memref<80x128xf32, #tpu.memory_space<vmem>>, vector<16xf32>,
          tpu.vector_store %arg15[%parallel_loop3A_126, %parallel_loop3A_127], %parallel_loop3A_125 {strides = array<i32>} : memref<80x128xf32, #tpu.memory_space<vmem>>, vector<16xf32>,
          %parallel_loop3A_129 = arith.index_cast %parallel_loop3A_77 : i32 to index
          %parallel_loop3A_130 = arith.constant 112 : index
          %parallel_loop3A_131 = tpu.vector_load %arg15[%parallel_loop3A_129, %parallel_loop3A_130] {strides = array<i32>} : memref<80x128xf32, #tpu.memory_space<vmem>>, vector<16xf32>,
          %parallel_loop3A_132 = arith.mulf %parallel_loop3A_131, %parallel_loop3A_79 : vector<16xf32>
          %parallel_loop3A_133 = arith.index_cast %parallel_loop3A_77 : i32 to index
          %parallel_loop3A_134 = arith.constant 112 : index
          %parallel_loop3A_135 = tpu.vector_load %arg15[%parallel_loop3A_133, %parallel_loop3A_134] {strides = array<i32>} : memref<80x128xf32, #tpu.memory_space<vmem>>, vector<16xf32>,
          tpu.vector_store %arg15[%parallel_loop3A_133, %parallel_loop3A_134], %parallel_loop3A_132 {strides = array<i32>} : memref<80x128xf32, #tpu.memory_space<vmem>>, vector<16xf32>,
        } {sc.loop_unroll_factor = 8 : i64, sc.parallel_access}
        "tpu.region"() ({
          %run_scoped3A = tpu.sem_alloc : memref<!tpu.dma_semaphore, #tpu.memory_space<semaphore_mem>>
          %dma_start3A_77 = arith.constant 0 : i32
          %dma_start3A_78 = tpu.memref_slice %arg11[%scan3A_61, %dma_start3A_77] : memref<5x80xi32, #tpu.memory_space<vmem>> -> memref<1x80xi32, #tpu.memory_space<vmem>>
          %dma_start3A_79 = tpu.memref_squeeze %dma_start3A_78 : memref<1x80xi32, #tpu.memory_space<vmem>> -> memref<80xi32, #tpu.memory_space<vmem>>
          %dma_start3A_80 = arith.constant 0 : i32
          %dma_start3A_81 = arith.constant 0 : i32
          %dma_start3A_82 = tpu.memref_slice %arg19[%dma_start3A_80, %dma_start3A_81] : memref<10240x128xf32, #tpu.memory_space<vmem_shared>> -> memref<10240x128xf32, #tpu.memory_space<vmem_shared>>
          tpu.enqueue_indirect_dma source(%arg15 : memref<80x128xf32, #tpu.memory_space<vmem>>) target(%dma_start3A_82 : memref<10240x128xf32, #tpu.memory_space<vmem_shared>>) offsets(%dma_start3A_79 : memref<80xi32, #tpu.memory_space<vmem>>) semaphore(%run_scoped3A : memref<!tpu.dma_semaphore, #tpu.memory_space<semaphore_mem>>) {add = true}
          %dma_wait3A_83 = arith.constant 0 : i32
          %dma_wait3A_84 = tpu.memref_slice %arg11[%scan3A_61, %dma_wait3A_83] : memref<5x80xi32, #tpu.memory_space<vmem>> -> memref<1x80xi32, #tpu.memory_space<vmem>>
          %dma_wait3A_85 = tpu.memref_squeeze %dma_wait3A_84 : memref<1x80xi32, #tpu.memory_space<vmem>> -> memref<80xi32, #tpu.memory_space<vmem>>
          %dma_wait3A_86 = arith.constant 0 : i32
          %dma_wait3A_87 = arith.constant 0 : i32
          %dma_wait3A_88 = tpu.memref_slice %arg19[%dma_wait3A_86, %dma_wait3A_87] : memref<10240x128xf32, #tpu.memory_space<vmem_shared>> -> memref<10240x128xf32, #tpu.memory_space<vmem_shared>>
          tpu.wait_indirect_dma semaphore(%run_scoped3A : memref<!tpu.dma_semaphore, #tpu.memory_space<semaphore_mem>>) src(%arg15 : memref<80x128xf32, #tpu.memory_space<vmem>>) dst(%dma_wait3A_88 : memref<10240x128xf32, #tpu.memory_space<vmem_shared>>)
          tpu.yield
        }) : () -> ()
        %scan3A_76 = arith.constant 0 : i32
        scf.yield %scan3A_76 : i32
      }
      %scan3A_59 = arith.constant 5 : i32
      %scan3A_60 = arith.constant 0 : i32
      scf.yield %scan3A_60 : i32
    }
    %scan3A_32 = arith.constant 25 : i32
    %barrier3A_33 = arith.constant 0 : index
    tpu.barrier barrier_id(%barrier3A_33)
    %mul3A_34 = arith.constant 640 : i32
    %mul3A_35 = arith.muli %arg1, %mul3A_34 : i32
    %mul3A_36 = arith.constant 640 : i32
    %mul3A_37 = arith.muli %arg1, %mul3A_36 : i32
    "tpu.region"() ({
      %run_scoped3A = tpu.sem_alloc : memref<!tpu.dma_semaphore, #tpu.memory_space<semaphore_mem>>
      %dma_start3A = arith.constant 0 : i32
      %dma_start3A_38 = tpu.memref_slice %arg9[%arg0, %mul3A_37, %dma_start3A] : memref<2x10240x128xf32, #tpu.memory_space<hbm>> -> memref<1x640x128xf32, #tpu.memory_space<hbm>>
      %dma_start3A_39 = tpu.memref_squeeze %dma_start3A_38 : memref<1x640x128xf32, #tpu.memory_space<hbm>> -> memref<640x128xf32, #tpu.memory_space<hbm>>
      %dma_start3A_40 = arith.constant 0 : i32
      %dma_start3A_41 = tpu.memref_slice %arg19[%mul3A_35, %dma_start3A_40] : memref<10240x128xf32, #tpu.memory_space<vmem_shared>> -> memref<640x128xf32, #tpu.memory_space<vmem_shared>>
      tpu.enqueue_dma source(%dma_start3A_41 : memref<640x128xf32, #tpu.memory_space<vmem_shared>>) target(%dma_start3A_39 : memref<640x128xf32, #tpu.memory_space<hbm>>) target_semaphore(%run_scoped3A : memref<!tpu.dma_semaphore, #tpu.memory_space<semaphore_mem>>)
      %dma_wait3A = arith.constant 0 : i32
      %dma_wait3A_42 = tpu.memref_slice %arg9[%arg0, %mul3A_37, %dma_wait3A] : memref<2x10240x128xf32, #tpu.memory_space<hbm>> -> memref<1x640x128xf32, #tpu.memory_space<hbm>>
      %dma_wait3A_43 = tpu.memref_squeeze %dma_wait3A_42 : memref<1x640x128xf32, #tpu.memory_space<hbm>> -> memref<640x128xf32, #tpu.memory_space<hbm>>
      %dma_wait3A_44 = arith.constant 0 : i32
      %dma_wait3A_45 = tpu.memref_slice %arg19[%mul3A_35, %dma_wait3A_44] : memref<10240x128xf32, #tpu.memory_space<vmem_shared>> -> memref<640x128xf32, #tpu.memory_space<vmem_shared>>
      tpu.wait_dma2 semaphore(%run_scoped3A : memref<!tpu.dma_semaphore, #tpu.memory_space<semaphore_mem>>) src(%dma_wait3A_45 : memref<640x128xf32, #tpu.memory_space<vmem_shared>>) dst(%dma_wait3A_43 : memref<640x128xf32, #tpu.memory_space<hbm>>)
      tpu.yield
    }) : () -> ()
    return
  }
}

module attributes {stable_mosaic.version = 14 : i64} {
  func.func @_k1_body(%arg0: i32, %arg1: memref<2000x512xf32, #tpu.memory_space<vmem>>, %arg2: memref<512x256xf32, #tpu.memory_space<vmem>>, %arg3: memref<256x8xf32, #tpu.memory_space<vmem>>, %arg4: memref<2000x128xf32, #tpu.memory_space<vmem>>, %arg5: memref<2000x128xf32, #tpu.memory_space<vmem>>, %arg6: memref<2000x8xf32, #tpu.memory_space<vmem>>) attributes {dimension_semantics = [#tpu.dimension_semantics<arbitrary>], iteration_bounds = array<i64: 5>, scalar_prefetch = 0 : i64, scratch_operands = 0 : i64, tpu.core_type = #tpu.core_type<tc>, window_params = [{transform_indices = @transform_0, window_bounds = array<i64: 2000, 512>}, {pipeline_mode = #tpu.pipeline_mode<synchronous>, transform_indices = @transform_1, window_bounds = array<i64: 512, 256>}, {pipeline_mode = #tpu.pipeline_mode<synchronous>, transform_indices = @transform_2, window_bounds = array<i64: 256, 8>}, {transform_indices = @transform_3, window_bounds = array<i64: 2000, 128>}, {transform_indices = @transform_4, window_bounds = array<i64: 2000, 128>}, {transform_indices = @transform_5, window_bounds = array<i64: 2000, 8>}]} {
    %get3A = arith.constant 0 : index
    %get3A_0 = arith.constant 0 : index
    %get3A_1 = vector.load %arg1[%get3A, %get3A_0] : memref<2000x512xf32, #tpu.memory_space<vmem>>, vector<2000x512xf32>
    %get3A_2 = arith.constant 0 : index
    %get3A_3 = arith.constant 0 : index
    %get3A_4 = vector.load %arg2[%get3A_2, %get3A_3] : memref<512x256xf32, #tpu.memory_space<vmem>>, vector<512x256xf32>
    %dot_general3A = arith.constant dense<0.000000e+00> : vector<2000x256xf32>
    %dot_general3A_5 = tpu.matmul %get3A_1, %get3A_4, %dot_general3A {dimension_numbers = #tpu.dot_dimension_numbers<[1], [0], [0], [1], [0, 0, 1, 1], [], []>, transpose_lhs_hint = false} : vector<2000x512xf32>, vector<512x256xf32>, vector<2000x256xf32> -> vector<2000x256xf32>
    %slice3A = vector.extract_strided_slice %dot_general3A_5 {offsets = [0, 0], sizes = [2000, 128], strides = [1, 1]} : vector<2000x256xf32> to vector<2000x128xf32>
    %swap3A = arith.constant 0 : index
    %swap3A_6 = arith.constant 0 : index
    %swap3A_7 = vector.load %arg4[%swap3A, %swap3A_6] : memref<2000x128xf32, #tpu.memory_space<vmem>>, vector<2000x128xf32>
    tpu.vector_store %arg4[%swap3A, %swap3A_6], %slice3A {strides = array<i32>} : memref<2000x128xf32, #tpu.memory_space<vmem>>, vector<2000x128xf32>,
    %slice3A_8 = vector.extract_strided_slice %dot_general3A_5 {offsets = [0, 128], sizes = [2000, 128], strides = [1, 1]} : vector<2000x256xf32> to vector<2000x128xf32>
    %swap3A_9 = arith.constant 0 : index
    %swap3A_10 = arith.constant 0 : index
    %swap3A_11 = vector.load %arg5[%swap3A_9, %swap3A_10] : memref<2000x128xf32, #tpu.memory_space<vmem>>, vector<2000x128xf32>
    tpu.vector_store %arg5[%swap3A_9, %swap3A_10], %slice3A_8 {strides = array<i32>} : memref<2000x128xf32, #tpu.memory_space<vmem>>, vector<2000x128xf32>,
    %get3A_12 = arith.constant 0 : index
    %get3A_13 = arith.constant 0 : index
    %get3A_14 = vector.load %arg3[%get3A_12, %get3A_13] : memref<256x8xf32, #tpu.memory_space<vmem>>, vector<256x8xf32>
    %dot_general3A_15 = arith.constant dense<0.000000e+00> : vector<2000x8xf32>
    %dot_general3A_16 = tpu.matmul %dot_general3A_5, %get3A_14, %dot_general3A_15 {dimension_numbers = #tpu.dot_dimension_numbers<[1], [0], [0], [1], [0, 0, 1, 1], [], []>, transpose_lhs_hint = false} : vector<2000x256xf32>, vector<256x8xf32>, vector<2000x8xf32> -> vector<2000x8xf32>
    %swap3A_17 = arith.constant 0 : index
    %swap3A_18 = arith.constant 0 : index
    %swap3A_19 = vector.load %arg6[%swap3A_17, %swap3A_18] : memref<2000x8xf32, #tpu.memory_space<vmem>>, vector<2000x8xf32>
    tpu.vector_store %arg6[%swap3A_17, %swap3A_18], %dot_general3A_16 {strides = array<i32>} : memref<2000x8xf32, #tpu.memory_space<vmem>>, vector<2000x8xf32>,
    return
  }
  func.func @transform_0(%arg0: i32) -> (i32, i32) {
    %c0_i32 = arith.constant 0 : i32
    %c0_i32_0 = arith.constant 0 : i32
    return %arg0, %c0_i32 : i32, i32
  }
  func.func @transform_1(%arg0: i32) -> (i32, i32) {
    %c0_i32 = arith.constant 0 : i32
    %c0_i32_0 = arith.constant 0 : i32
    %c0_i32_1 = arith.constant 0 : i32
    return %c0_i32, %c0_i32_0 : i32, i32
  }
  func.func @transform_2(%arg0: i32) -> (i32, i32) {
    %c0_i32 = arith.constant 0 : i32
    %c0_i32_0 = arith.constant 0 : i32
    %c0_i32_1 = arith.constant 0 : i32
    return %c0_i32, %c0_i32_0 : i32, i32
  }
  func.func @transform_3(%arg0: i32) -> (i32, i32) {
    %c0_i32 = arith.constant 0 : i32
    %c0_i32_0 = arith.constant 0 : i32
    return %arg0, %c0_i32 : i32, i32
  }
  func.func @transform_4(%arg0: i32) -> (i32, i32) {
    %c0_i32 = arith.constant 0 : i32
    %c0_i32_0 = arith.constant 0 : i32
    return %arg0, %c0_i32 : i32, i32
  }
  func.func @transform_5(%arg0: i32) -> (i32, i32) {
    %c0_i32 = arith.constant 0 : i32
    %c0_i32_0 = arith.constant 0 : i32
    return %arg0, %c0_i32 : i32, i32
  }
}

module attributes {stable_mosaic.version = 14 : i64} {
  func.func @_k3_body(%arg0: i32, %arg1: memref<2000x128xf32, #tpu.memory_space<vmem>>, %arg2: memref<2000x128xf32, #tpu.memory_space<vmem>>, %arg3: memref<1x128xf32, #tpu.memory_space<vmem>>, %arg4: memref<1x128xf32, #tpu.memory_space<vmem>>, %arg5: memref<128x128xf32, #tpu.memory_space<vmem>>, %arg6: memref<128x128xf32, #tpu.memory_space<vmem>>, %arg7: memref<1x128xf32, #tpu.memory_space<vmem>>, %arg8: memref<128x64xf32, #tpu.memory_space<vmem>>, %arg9: memref<1x64xf32, #tpu.memory_space<vmem>>, %arg10: memref<64x32xf32, #tpu.memory_space<vmem>>, %arg11: memref<1x32xf32, #tpu.memory_space<vmem>>, %arg12: memref<32x8xf32, #tpu.memory_space<vmem>>, %arg13: memref<1x8xf32, #tpu.memory_space<vmem>>, %arg14: memref<2000x8xf32, #tpu.memory_space<vmem>>) attributes {dimension_semantics = [#tpu.dimension_semantics<arbitrary>], iteration_bounds = array<i64: 5>, scalar_prefetch = 0 : i64, scratch_operands = 0 : i64, tpu.core_type = #tpu.core_type<tc>, window_params = [{transform_indices = @transform_0, window_bounds = array<i64: 2000, 128>}, {transform_indices = @transform_1, window_bounds = array<i64: 2000, 128>}, {pipeline_mode = #tpu.pipeline_mode<synchronous>, transform_indices = @transform_2, window_bounds = array<i64: 1, 128>}, {pipeline_mode = #tpu.pipeline_mode<synchronous>, transform_indices = @transform_3, window_bounds = array<i64: 1, 128>}, {pipeline_mode = #tpu.pipeline_mode<synchronous>, transform_indices = @transform_4, window_bounds = array<i64: 128, 128>}, {pipeline_mode = #tpu.pipeline_mode<synchronous>, transform_indices = @transform_5, window_bounds = array<i64: 128, 128>}, {pipeline_mode = #tpu.pipeline_mode<synchronous>, transform_indices = @transform_6, window_bounds = array<i64: 1, 128>}, {pipeline_mode = #tpu.pipeline_mode<synchronous>, transform_indices = @transform_7, window_bounds = array<i64: 128, 64>}, {pipeline_mode = #tpu.pipeline_mode<synchronous>, transform_indices = @transform_8, window_bounds = array<i64: 1, 64>}, {pipeline_mode = #tpu.pipeline_mode<synchronous>, transform_indices = @transform_9, window_bounds = array<i64: 64, 32>}, {pipeline_mode = #tpu.pipeline_mode<synchronous>, transform_indices = @transform_10, window_bounds = array<i64: 1, 32>}, {pipeline_mode = #tpu.pipeline_mode<synchronous>, transform_indices = @transform_11, window_bounds = array<i64: 32, 8>}, {pipeline_mode = #tpu.pipeline_mode<synchronous>, transform_indices = @transform_12, window_bounds = array<i64: 1, 8>}, {transform_indices = @transform_13, window_bounds = array<i64: 2000, 8>}]} {
    %get3A = arith.constant 0 : index
    %get3A_0 = arith.constant 0 : index
    %get3A_1 = vector.load %arg1[%get3A, %get3A_0] : memref<2000x128xf32, #tpu.memory_space<vmem>>, vector<2000x128xf32>
    %get3A_2 = arith.constant 0 : index
    %get3A_3 = arith.constant 0 : index
    %get3A_4 = vector.load %arg3[%get3A_2, %get3A_3] : memref<1x128xf32, #tpu.memory_space<vmem>>, vector<1x128xf32>
    %add3A = vector.broadcast %get3A_4 : vector<1x128xf32> to vector<2000x128xf32>
    %add3A_5 = arith.addf %get3A_1, %add3A : vector<2000x128xf32>
    %gt3A = arith.constant 0.000000e+00 : f32
    %gt3A_6 = vector.broadcast %gt3A : f32 to vector<2000x128xf32>
    %gt3A_7 = arith.cmpf ogt, %add3A_5, %gt3A_6 : vector<2000x128xf32>
    %mul3A = arith.constant 0.00999999977 : f32
    %mul3A_8 = vector.broadcast %mul3A : f32 to vector<2000x128xf32>
    %mul3A_9 = arith.mulf %mul3A_8, %add3A_5 : vector<2000x128xf32>
    %select_n3A = arith.select %gt3A_7, %add3A_5, %mul3A_9 : vector<2000x128xi1>, vector<2000x128xf32>
    %get3A_10 = arith.constant 0 : index
    %get3A_11 = arith.constant 0 : index
    %get3A_12 = vector.load %arg2[%get3A_10, %get3A_11] : memref<2000x128xf32, #tpu.memory_space<vmem>>, vector<2000x128xf32>
    %get3A_13 = arith.constant 0 : index
    %get3A_14 = arith.constant 0 : index
    %get3A_15 = vector.load %arg4[%get3A_13, %get3A_14] : memref<1x128xf32, #tpu.memory_space<vmem>>, vector<1x128xf32>
    %add3A_16 = vector.broadcast %get3A_15 : vector<1x128xf32> to vector<2000x128xf32>
    %add3A_17 = arith.addf %get3A_12, %add3A_16 : vector<2000x128xf32>
    %gt3A_18 = arith.constant 0.000000e+00 : f32
    %gt3A_19 = vector.broadcast %gt3A_18 : f32 to vector<2000x128xf32>
    %gt3A_20 = arith.cmpf ogt, %add3A_17, %gt3A_19 : vector<2000x128xf32>
    %mul3A_21 = arith.constant 0.00999999977 : f32
    %mul3A_22 = vector.broadcast %mul3A_21 : f32 to vector<2000x128xf32>
    %mul3A_23 = arith.mulf %mul3A_22, %add3A_17 : vector<2000x128xf32>
    %select_n3A_24 = arith.select %gt3A_20, %add3A_17, %mul3A_23 : vector<2000x128xi1>, vector<2000x128xf32>
    %get3A_25 = arith.constant 0 : index
    %get3A_26 = arith.constant 0 : index
    %get3A_27 = vector.load %arg5[%get3A_25, %get3A_26] : memref<128x128xf32, #tpu.memory_space<vmem>>, vector<128x128xf32>
    %dot_general3A = arith.constant dense<0.000000e+00> : vector<2000x128xf32>
    %dot_general3A_28 = tpu.matmul %select_n3A, %get3A_27, %dot_general3A {dimension_numbers = #tpu.dot_dimension_numbers<[1], [0], [0], [1], [0, 0, 1, 1], [], []>, transpose_lhs_hint = false} : vector<2000x128xf32>, vector<128x128xf32>, vector<2000x128xf32> -> vector<2000x128xf32>
    %get3A_29 = arith.constant 0 : index
    %get3A_30 = arith.constant 0 : index
    %get3A_31 = vector.load %arg6[%get3A_29, %get3A_30] : memref<128x128xf32, #tpu.memory_space<vmem>>, vector<128x128xf32>
    %dot_general3A_32 = arith.constant dense<0.000000e+00> : vector<2000x128xf32>
    %dot_general3A_33 = tpu.matmul %select_n3A_24, %get3A_31, %dot_general3A_32 {dimension_numbers = #tpu.dot_dimension_numbers<[1], [0], [0], [1], [0, 0, 1, 1], [], []>, transpose_lhs_hint = false} : vector<2000x128xf32>, vector<128x128xf32>, vector<2000x128xf32> -> vector<2000x128xf32>
    %add3A_34 = arith.addf %dot_general3A_28, %dot_general3A_33 : vector<2000x128xf32>
    %get3A_35 = arith.constant 0 : index
    %get3A_36 = arith.constant 0 : index
    %get3A_37 = vector.load %arg7[%get3A_35, %get3A_36] : memref<1x128xf32, #tpu.memory_space<vmem>>, vector<1x128xf32>
    %add3A_38 = vector.broadcast %get3A_37 : vector<1x128xf32> to vector<2000x128xf32>
    %add3A_39 = arith.addf %add3A_34, %add3A_38 : vector<2000x128xf32>
    %gt3A_40 = arith.constant 0.000000e+00 : f32
    %gt3A_41 = vector.broadcast %gt3A_40 : f32 to vector<2000x128xf32>
    %gt3A_42 = arith.cmpf ogt, %add3A_39, %gt3A_41 : vector<2000x128xf32>
    %mul3A_43 = arith.constant 0.00999999977 : f32
    %mul3A_44 = vector.broadcast %mul3A_43 : f32 to vector<2000x128xf32>
    %mul3A_45 = arith.mulf %mul3A_44, %add3A_39 : vector<2000x128xf32>
    %select_n3A_46 = arith.select %gt3A_42, %add3A_39, %mul3A_45 : vector<2000x128xi1>, vector<2000x128xf32>
    %get3A_47 = arith.constant 0 : index
    %get3A_48 = arith.constant 0 : index
    %get3A_49 = vector.load %arg8[%get3A_47, %get3A_48] : memref<128x64xf32, #tpu.memory_space<vmem>>, vector<128x64xf32>
    %dot_general3A_50 = arith.constant dense<0.000000e+00> : vector<2000x64xf32>
    %dot_general3A_51 = tpu.matmul %select_n3A_46, %get3A_49, %dot_general3A_50 {dimension_numbers = #tpu.dot_dimension_numbers<[1], [0], [0], [1], [0, 0, 1, 1], [], []>, transpose_lhs_hint = false} : vector<2000x128xf32>, vector<128x64xf32>, vector<2000x64xf32> -> vector<2000x64xf32>
    %get3A_52 = arith.constant 0 : index
    %get3A_53 = arith.constant 0 : index
    %get3A_54 = vector.load %arg9[%get3A_52, %get3A_53] : memref<1x64xf32, #tpu.memory_space<vmem>>, vector<1x64xf32>
    %add3A_55 = vector.broadcast %get3A_54 : vector<1x64xf32> to vector<2000x64xf32>
    %add3A_56 = arith.addf %dot_general3A_51, %add3A_55 : vector<2000x64xf32>
    %gt3A_57 = arith.constant 0.000000e+00 : f32
    %gt3A_58 = vector.broadcast %gt3A_57 : f32 to vector<2000x64xf32>
    %gt3A_59 = arith.cmpf ogt, %add3A_56, %gt3A_58 : vector<2000x64xf32>
    %mul3A_60 = arith.constant 0.00999999977 : f32
    %mul3A_61 = vector.broadcast %mul3A_60 : f32 to vector<2000x64xf32>
    %mul3A_62 = arith.mulf %mul3A_61, %add3A_56 : vector<2000x64xf32>
    %select_n3A_63 = arith.select %gt3A_59, %add3A_56, %mul3A_62 : vector<2000x64xi1>, vector<2000x64xf32>
    %get3A_64 = arith.constant 0 : index
    %get3A_65 = arith.constant 0 : index
    %get3A_66 = vector.load %arg10[%get3A_64, %get3A_65] : memref<64x32xf32, #tpu.memory_space<vmem>>, vector<64x32xf32>
    %dot_general3A_67 = arith.constant dense<0.000000e+00> : vector<2000x32xf32>
    %dot_general3A_68 = tpu.matmul %select_n3A_63, %get3A_66, %dot_general3A_67 {dimension_numbers = #tpu.dot_dimension_numbers<[1], [0], [0], [1], [0, 0, 1, 1], [], []>, transpose_lhs_hint = false} : vector<2000x64xf32>, vector<64x32xf32>, vector<2000x32xf32> -> vector<2000x32xf32>
    %get3A_69 = arith.constant 0 : index
    %get3A_70 = arith.constant 0 : index
    %get3A_71 = vector.load %arg11[%get3A_69, %get3A_70] : memref<1x32xf32, #tpu.memory_space<vmem>>, vector<1x32xf32>
    %add3A_72 = vector.broadcast %get3A_71 : vector<1x32xf32> to vector<2000x32xf32>
    %add3A_73 = arith.addf %dot_general3A_68, %add3A_72 : vector<2000x32xf32>
    %gt3A_74 = arith.constant 0.000000e+00 : f32
    %gt3A_75 = vector.broadcast %gt3A_74 : f32 to vector<2000x32xf32>
    %gt3A_76 = arith.cmpf ogt, %add3A_73, %gt3A_75 : vector<2000x32xf32>
    %mul3A_77 = arith.constant 0.00999999977 : f32
    %mul3A_78 = vector.broadcast %mul3A_77 : f32 to vector<2000x32xf32>
    %mul3A_79 = arith.mulf %mul3A_78, %add3A_73 : vector<2000x32xf32>
    %select_n3A_80 = arith.select %gt3A_76, %add3A_73, %mul3A_79 : vector<2000x32xi1>, vector<2000x32xf32>
    %get3A_81 = arith.constant 0 : index
    %get3A_82 = arith.constant 0 : index
    %get3A_83 = vector.load %arg12[%get3A_81, %get3A_82] : memref<32x8xf32, #tpu.memory_space<vmem>>, vector<32x8xf32>
    %dot_general3A_84 = arith.constant dense<0.000000e+00> : vector<2000x8xf32>
    %dot_general3A_85 = tpu.matmul %select_n3A_80, %get3A_83, %dot_general3A_84 {dimension_numbers = #tpu.dot_dimension_numbers<[1], [0], [0], [1], [0, 0, 1, 1], [], []>, transpose_lhs_hint = false} : vector<2000x32xf32>, vector<32x8xf32>, vector<2000x8xf32> -> vector<2000x8xf32>
    %get3A_86 = arith.constant 0 : index
    %get3A_87 = arith.constant 0 : index
    %get3A_88 = vector.load %arg13[%get3A_86, %get3A_87] : memref<1x8xf32, #tpu.memory_space<vmem>>, vector<1x8xf32>
    %add3A_89 = vector.broadcast %get3A_88 : vector<1x8xf32> to vector<2000x8xf32>
    %add3A_90 = arith.addf %dot_general3A_85, %add3A_89 : vector<2000x8xf32>
    %swap3A = arith.constant 0 : index
    %swap3A_91 = arith.constant 0 : index
    %swap3A_92 = vector.load %arg14[%swap3A, %swap3A_91] : memref<2000x8xf32, #tpu.memory_space<vmem>>, vector<2000x8xf32>
    tpu.vector_store %arg14[%swap3A, %swap3A_91], %add3A_90 {strides = array<i32>} : memref<2000x8xf32, #tpu.memory_space<vmem>>, vector<2000x8xf32>,
    return
  }
  func.func @transform_0(%arg0: i32) -> (i32, i32) {
    %c0_i32 = arith.constant 0 : i32
    %c0_i32_0 = arith.constant 0 : i32
    return %arg0, %c0_i32 : i32, i32
  }
  func.func @transform_1(%arg0: i32) -> (i32, i32) {
    %c0_i32 = arith.constant 0 : i32
    %c0_i32_0 = arith.constant 0 : i32
    return %arg0, %c0_i32 : i32, i32
  }
  func.func @transform_2(%arg0: i32) -> (i32, i32) {
    %c0_i32 = arith.constant 0 : i32
    %c0_i32_0 = arith.constant 0 : i32
    %c0_i32_1 = arith.constant 0 : i32
    return %c0_i32, %c0_i32_0 : i32, i32
  }
  func.func @transform_3(%arg0: i32) -> (i32, i32) {
    %c0_i32 = arith.constant 0 : i32
    %c0_i32_0 = arith.constant 0 : i32
    %c0_i32_1 = arith.constant 0 : i32
    return %c0_i32, %c0_i32_0 : i32, i32
  }
  func.func @transform_4(%arg0: i32) -> (i32, i32) {
    %c0_i32 = arith.constant 0 : i32
    %c0_i32_0 = arith.constant 0 : i32
    %c0_i32_1 = arith.constant 0 : i32
    return %c0_i32, %c0_i32_0 : i32, i32
  }
  func.func @transform_5(%arg0: i32) -> (i32, i32) {
    %c0_i32 = arith.constant 0 : i32
    %c0_i32_0 = arith.constant 0 : i32
    %c0_i32_1 = arith.constant 0 : i32
    return %c0_i32, %c0_i32_0 : i32, i32
  }
  func.func @transform_6(%arg0: i32) -> (i32, i32) {
    %c0_i32 = arith.constant 0 : i32
    %c0_i32_0 = arith.constant 0 : i32
    %c0_i32_1 = arith.constant 0 : i32
    return %c0_i32, %c0_i32_0 : i32, i32
  }
  func.func @transform_7(%arg0: i32) -> (i32, i32) {
    %c0_i32 = arith.constant 0 : i32
    %c0_i32_0 = arith.constant 0 : i32
    %c0_i32_1 = arith.constant 0 : i32
    return %c0_i32, %c0_i32_0 : i32, i32
  }
  func.func @transform_8(%arg0: i32) -> (i32, i32) {
    %c0_i32 = arith.constant 0 : i32
    %c0_i32_0 = arith.constant 0 : i32
    %c0_i32_1 = arith.constant 0 : i32
    return %c0_i32, %c0_i32_0 : i32, i32
  }
  func.func @transform_9(%arg0: i32) -> (i32, i32) {
    %c0_i32 = arith.constant 0 : i32
    %c0_i32_0 = arith.constant 0 : i32
    %c0_i32_1 = arith.constant 0 : i32
    return %c0_i32, %c0_i32_0 : i32, i32
  }
  func.func @transform_10(%arg0: i32) -> (i32, i32) {
    %c0_i32 = arith.constant 0 : i32
    %c0_i32_0 = arith.constant 0 : i32
    %c0_i32_1 = arith.constant 0 : i32
    return %c0_i32, %c0_i32_0 : i32, i32
  }
  func.func @transform_11(%arg0: i32) -> (i32, i32) {
    %c0_i32 = arith.constant 0 : i32
    %c0_i32_0 = arith.constant 0 : i32
    %c0_i32_1 = arith.constant 0 : i32
    return %c0_i32, %c0_i32_0 : i32, i32
  }
  func.func @transform_12(%arg0: i32) -> (i32, i32) {
    %c0_i32 = arith.constant 0 : i32
    %c0_i32_0 = arith.constant 0 : i32
    %c0_i32_1 = arith.constant 0 : i32
    return %c0_i32, %c0_i32_0 : i32, i32
  }
  func.func @transform_13(%arg0: i32) -> (i32, i32) {
    %c0_i32 = arith.constant 0 : i32
    %c0_i32_0 = arith.constant 0 : i32
    return %arg0, %c0_i32 : i32, i32
  }
}

module attributes {stable_mosaic.version = 14 : i64} {
  func.func @_k4_body(%arg0: i32, %arg1: memref<400x8xf32, #tpu.memory_space<vmem>>, %arg2: memref<8x10000xf32, #tpu.memory_space<vmem>>, %arg3: memref<400x10000xf32, #tpu.memory_space<vmem>>) attributes {dimension_semantics = [#tpu.dimension_semantics<arbitrary>], iteration_bounds = array<i64: 25>, scalar_prefetch = 0 : i64, scratch_operands = 0 : i64, tpu.core_type = #tpu.core_type<tc>, window_params = [{transform_indices = @transform_0, window_bounds = array<i64: 400, 8>}, {pipeline_mode = #tpu.pipeline_mode<synchronous>, transform_indices = @transform_1, window_bounds = array<i64: 8, 10000>}, {transform_indices = @transform_2, window_bounds = array<i64: 400, 10000>}]} {
    %get3A = arith.constant 0 : index
    %get3A_0 = arith.constant 0 : index
    %get3A_1 = vector.load %arg1[%get3A, %get3A_0] : memref<400x8xf32, #tpu.memory_space<vmem>>, vector<400x8xf32>
    %get3A_2 = arith.constant 0 : index
    %get3A_3 = arith.constant 0 : index
    %get3A_4 = vector.load %arg2[%get3A_2, %get3A_3] : memref<8x10000xf32, #tpu.memory_space<vmem>>, vector<8x10000xf32>
    %dot_general3A = arith.constant dense<0.000000e+00> : vector<400x10000xf32>
    %dot_general3A_5 = tpu.matmul %get3A_1, %get3A_4, %dot_general3A {dimension_numbers = #tpu.dot_dimension_numbers<[1], [0], [0], [1], [0, 0, 1, 1], [], []>, transpose_lhs_hint = false} : vector<400x8xf32>, vector<8x10000xf32>, vector<400x10000xf32> -> vector<400x10000xf32>
    %mul3A = arith.mulf %get3A_1, %get3A_1 : vector<400x8xf32>
    %reduce_sum3A = arith.constant dense<0.000000e+00> : vector<400xf32>
    %reduce_sum3A_6 = vector.multi_reduction <add>, %mul3A, %reduce_sum3A [1] : vector<400x8xf32> to vector<400xf32>
    %broadcast_in_dim3A = vector.shape_cast %reduce_sum3A_6 : vector<400xf32> to vector<400x1xf32>
    %mul3A_7 = arith.mulf %get3A_4, %get3A_4 : vector<8x10000xf32>
    %reduce_sum3A_8 = arith.constant dense<0.000000e+00> : vector<10000xf32>
    %reduce_sum3A_9 = vector.multi_reduction <add>, %mul3A_7, %reduce_sum3A_8 [0] : vector<8x10000xf32> to vector<10000xf32>
    %broadcast_in_dim3A_10 = vector.shape_cast %reduce_sum3A_9 : vector<10000xf32> to vector<1x10000xf32>
    %add3A = vector.broadcast %broadcast_in_dim3A : vector<400x1xf32> to vector<400x10000xf32>
    %add3A_11 = vector.broadcast %broadcast_in_dim3A_10 : vector<1x10000xf32> to vector<400x10000xf32>
    %add3A_12 = arith.addf %add3A, %add3A_11 : vector<400x10000xf32>
    %mul3A_13 = arith.constant 2.000000e+00 : f32
    %mul3A_14 = vector.broadcast %mul3A_13 : f32 to vector<400x10000xf32>
    %mul3A_15 = arith.mulf %mul3A_14, %dot_general3A_5 : vector<400x10000xf32>
    %sub3A = arith.subf %add3A_12, %mul3A_15 : vector<400x10000xf32>
    %max3A = arith.constant 0.000000e+00 : f32
    %max3A_16 = vector.broadcast %max3A : f32 to vector<400x10000xf32>
    %max3A_17 = arith.maximumf %sub3A, %max3A_16 : vector<400x10000xf32>
    %gt3A = arith.constant 0.000000e+00 : f32
    %gt3A_18 = vector.broadcast %gt3A : f32 to vector<400x10000xf32>
    %gt3A_19 = arith.cmpf ogt, %max3A_17, %gt3A_18 : vector<400x10000xf32>
    %jit3A = arith.constant 1.000000e+00 : f32
    %broadcast_in_dim3A_20 = vector.broadcast %jit3A : f32 to vector<400x10000xf32>
    %select_n3A = arith.select %gt3A_19, %max3A_17, %broadcast_in_dim3A_20 : vector<400x10000xi1>, vector<400x10000xf32>
    %sqrt3A = math.sqrt %select_n3A : vector<400x10000xf32>
    %jit3A_21 = arith.constant 0.000000e+00 : f32
    %broadcast_in_dim3A_22 = vector.broadcast %jit3A_21 : f32 to vector<400x10000xf32>
    %select_n3A_23 = arith.select %gt3A_19, %sqrt3A, %broadcast_in_dim3A_22 : vector<400x10000xi1>, vector<400x10000xf32>
    %swap3A = arith.constant 0 : index
    %swap3A_24 = arith.constant 0 : index
    %swap3A_25 = vector.load %arg3[%swap3A, %swap3A_24] : memref<400x10000xf32, #tpu.memory_space<vmem>>, vector<400x10000xf32>
    tpu.vector_store %arg3[%swap3A, %swap3A_24], %select_n3A_23 {strides = array<i32>} : memref<400x10000xf32, #tpu.memory_space<vmem>>, vector<400x10000xf32>,
    return
  }
  func.func @transform_0(%arg0: i32) -> (i32, i32) {
    %c0_i32 = arith.constant 0 : i32
    %c0_i32_0 = arith.constant 0 : i32
    return %arg0, %c0_i32 : i32, i32
  }
  func.func @transform_1(%arg0: i32) -> (i32, i32) {
    %c0_i32 = arith.constant 0 : i32
    %c0_i32_0 = arith.constant 0 : i32
    %c0_i32_1 = arith.constant 0 : i32
    return %c0_i32, %c0_i32_0 : i32, i32
  }
  func.func @transform_2(%arg0: i32) -> (i32, i32) {
    %c0_i32 = arith.constant 0 : i32
    %c0_i32_0 = arith.constant 0 : i32
    return %arg0, %c0_i32 : i32, i32
  }
}

</mosaic_0001>

<sc_bundles>
// kernel: kernel.6.cloned.1.call-start
scs
__scs_entry_jumppad:
0x0: {  	(pc) =	sbr.rel $0x88, $3  }
0x1: {  	(tag) =	ssettag $0x0;
	lr =	simm.s32 $0x1  }
0x2: {  	[smem:$0x3F93] =	sst lr;
	_ =	strace $0xD0000000  }
0x3: {  	_ = 	snop  }
0x4: {  	_ = 	snop  }
0x5: {  	_ = 	snop  }
0x6: {  	_ = 	snop  }
0x7: {  	_ = 	snop  }
__scs_overlays_trampoline_lowered:
0x8: {  	[smem:$0x3FA2] =	sst s0  }
0x9: {  	[smem:$0x3FA3] =	sst s1  }
0xa: {  	[smem:$0x3FA4] =	sst s2  }
0xb: {  	[smem:$0x3FA5] =	sst s3  }
0xc: {  	[smem:$0x3FA6] =	sst s4  }
0xd: {  	[smem:$0x3FA7] =	sst s5  }
0xe: {  	[smem:$0x3FA8] =	sst s6  }
0xf: {  	[smem:$0x3FA9] =	sst s7  }
0x10: {  	[smem:$0x3FAA] =	sst s8  }
0x11: {  	[smem:$0x3FAB] =	sst s9;
	s0 =	simm.s32 @!p0 $0x0  }
0x12: {  	s1 =	sld [smem:$0x3F91];
	s0 =	simm.s32 @p0 $0x1  }
0x13: {  	[smem:$0x3FAC] =	sst s0;
	s0 =	simm.s32 @!p1 $0x0  }
0x14: {  	s2 =	sld [smem:$0x3F90];
	s0 =	simm.s32 @p1 $0x1  }
0x15: {  	[smem:$0x3FAD] =	sst s0;
	s0 =	simm.s32 @!p2 $0x0  }
0x16: {  	s3 =	sld [smem:$0x3FDB];
	s0 =	simm.s32 @p2 $0x1  }
0x17: {  	s4 =	simm.s32 $0x1BF5;
	[smem:$0x3FAF] =	sst s0  }
0x18: {  	s0 =	sld [smem:$0x3F92];
	_ =	swait.ge [sflag:s4], $0x0  }
0x19: {  	s7 =	sld [smem:$0x3F93]  }
0x1a: {  	s8 =	sadd.s32 $0xFFFFE003, lr  }
0x1b: {  	s9 =	sadd.s32 $0xFFFFFEF7, lr;
	s5 =	simm.s32 $0xFFFFFFFF;
	p2 =	slt.u32 s8, $0xFFFFF086  }
0x1c: {  	p1 =	slt.u32 s9, $0xF7A;
	s5 =	simm.s32 @!p2 $0x0  }
0x1d: {  	s5 =	simm.s32 @p1 $0x1;
	p0 =	seq.s32 s7, s2  }
0x1e: {  	s7 =	smul.u32 @!p0 $0xF7A, s2;
	p2 =	seq.s32 @!p0 s5, $0x0  }
0x1f: {  	s9 =	smul.u32 $0xF7A, s1;
	s8 =	simm.s32 @!p0 $0x1BF5;
	p2 =	por !p2, p0  }
0x20: {  	[sflag:s8] =	ssyncset.s32 @!p0 $0xFFFFF086;
	s6 =	sadd.s32 @!p0 s3, s7;
	s7 =	simm.s32 @!p0 $0x108  }
0x21: {  	s3 =	sadd.s32 s3, s9;
	s6 =	sadd.s32 @!p0 $0x88, s6;
	s7 =	simm.s32 @p2 $0x1082  }
0x22: {  	[simem:s7], [sflag:s8] =	dma.local @!p0 [hbm:s6], $0xF7A  }
0x23: {  	s9 =	sor.u32 $0xD0000000, s2;
	s6 =	simm.s32 $0x108;
	_ =	swait.ge @!p0 [sflag:s8], $0x0  }
0x24: {  	s3 =	sadd.s32 $0x88, s3;
	s6 =	simm.s32 @!p1 $0x1082;
	[sflag:s4] =	ssyncset.s32 $0xFFFFF086  }
0x25: {  	[simem:s6], [sflag:s4] =	dma.local [hbm:s3], $0xF7A  }
0x26: {  	[smem:$0x3F93] =	sst s1;
	(tag) =	ssettag s2;
	_ =	strace s9  }
0x27: {  	s1 =	sld [smem:$0x3FA3]  }
0x28: {  	s2 =	sld [smem:$0x3FA4]  }
0x29: {  	s4 =	sld [smem:$0x3FA6]  }
0x2a: {  	p0 =	seq.s32 s5, $0x0;
	s5 =	sld [smem:$0x3FA7]  }
0x2b: {  	s6 =	sld [smem:$0x3FA8]  }
0x2c: {  	s7 =	sld [smem:$0x3FA9]  }
0x2d: {  	s3 =	simm.s32 $0x108;
	s8 =	sld [smem:$0x3FAA]  }
0x2e: {  	s3 =	simm.s32 @!p0 $0x1082;
	s9 =	sld [smem:$0x3FAB]  }
0x2f: {  	lr =	sadd.s32 s0, s3;
	s0 =	sld [smem:$0x3FA2]  }
0x30: {  	s3 =	sld [smem:$0x3FA5]  }
0x31: {  	[smem:$0x3FAE] =	sst s10  }
0x32: {  	s10 =	sld [smem:$0x3FAC];
	_ =	sdelay $0x3  }
0x33: {  	p0 =	seq.s32 s10, $0x1;
	s10 =	sld [smem:$0x3FAE];
	_ =	sdelay $0x3  }
0x34: {  	[smem:$0x3FAE] =	sst s10  }
0x35: {  	s10 =	sld [smem:$0x3FAD];
	_ =	sdelay $0x3  }
0x36: {  	p1 =	seq.s32 s10, $0x1;
	s10 =	sld [smem:$0x3FAE];
	_ =	sdelay $0x3  }
0x37: {  	[smem:$0x3FAE] =	sst s10  }
0x38: {  	s10 =	sld [smem:$0x3FAF]  }
0x39: {  	_ = 	snop;
	(pc) =	sbr.ind lr, $3  }
0x3a: {  	_ = 	snop  }
0x3b: {  	_ = 	snop  }
0x3c: {  	p2 =	seq.s32 s10, $0x1;
	s10 =	sld [smem:$0x3FAE]  }
0x3d: {  	_ =	shalt  }
0x3e: {  	_ =	shalt  }
0x3f: {  	_ =	shalt  }
0x40: {  	_ =	shalt  }
0x41: {  	_ =	shalt  }
0x42: {  	_ =	shalt  }
0x43: {  	_ =	shalt  }
0x44: {  	_ =	shalt  }
0x45: {  	_ =	shalt  }
0x46: {  	_ =	shalt  }
0x47: {  	_ =	shalt  }
0x48: {  	_ =	shalt  }
0x49: {  	_ =	shalt  }
0x4a: {  	_ =	shalt  }
0x4b: {  	_ =	shalt  }
0x4c: {  	_ =	shalt  }
0x4d: {  	_ =	shalt  }
0x4e: {  	_ =	shalt  }
0x4f: {  	_ =	shalt  }
0x50: {  	_ =	shalt  }
0x51: {  	_ =	shalt  }
0x52: {  	_ =	shalt  }
0x53: {  	_ =	shalt  }
0x54: {  	_ =	shalt  }
0x55: {  	_ =	shalt  }
0x56: {  	_ =	shalt  }
0x57: {  	_ =	shalt  }
0x58: {  	_ =	shalt  }
0x59: {  	_ =	shalt  }
0x5a: {  	_ =	shalt  }
0x5b: {  	_ =	shalt  }
0x5c: {  	_ =	shalt  }
0x5d: {  	_ =	shalt  }
0x5e: {  	_ =	shalt  }
0x5f: {  	_ =	shalt  }
0x60: {  	_ =	shalt  }
0x61: {  	_ =	shalt  }
0x62: {  	_ =	shalt  }
0x63: {  	_ =	shalt  }
0x64: {  	_ =	shalt  }
0x65: {  	_ =	shalt  }
0x66: {  	_ =	shalt  }
0x67: {  	_ =	shalt  }
0x68: {  	_ =	shalt  }
0x69: {  	_ =	shalt  }
0x6a: {  	_ =	shalt  }
0x6b: {  	_ =	shalt  }
0x6c: {  	_ =	shalt  }
0x6d: {  	_ =	shalt  }
0x6e: {  	_ =	shalt  }
0x6f: {  	_ =	shalt  }
0x70: {  	_ =	shalt  }
0x71: {  	_ =	shalt  }
0x72: {  	_ =	shalt  }
0x73: {  	_ =	shalt  }
0x74: {  	_ =	shalt  }
0x75: {  	_ =	shalt  }
0x76: {  	_ =	shalt  }
0x77: {  	_ =	shalt  }
0x78: {  	_ =	shalt  }
0x79: {  	_ =	shalt  }
0x7a: {  	_ =	shalt  }
0x7b: {  	_ =	shalt  }
0x7c: {  	_ =	shalt  }
0x7d: {  	_ =	shalt  }
0x7e: {  	_ =	shalt  }
0x7f: {  	_ =	shalt  }
0x80: {  	_ =	shalt  }
0x81: {  	_ =	shalt  }
0x82: {  	_ =	shalt  }
0x83: {  	_ =	shalt  }
0x84: {  	_ =	shalt  }
0x85: {  	_ =	shalt  }
0x86: {  	_ =	shalt  }
0x87: {  	_ =	shalt  }
.Lfunc_end0:
.L_simem_size_0:
called_computation_lowered:
.L_overlay_start_0:
0x88: {  	s2 =	sld [smem:$0x3FD9]  }
0x89: {  	s3 =	sld [smem:$0x3FFE];
	_ =	sdelay $0x1  }
0x8a: {  	s1 =	srdreg.scid  }
0x8b: {  	s0 =	sand.u32 $0x1, s1  }
0x8c: {  	s17 =	sshll.u32 s0, $0xA;
	s2 =	sadd.s32 s3, s2  }
0x8d: {  	s2 =	sadd.s32 s2, s17  }
0x8e: {  	[smem:$0x3FBA] =	sst s2  }
0x8f: {  	_ = 	snop  }
0x90: {  	s2 =	sld [smem:$0x3FD0];
	(tm) =	ssettm $0x1  }
0x91: {  	s18 =	sld [smem:$0x3FFB];
	_ =	sdelay $0x3  }
0x92: {  	_ =	strace s18  }
0x93: {  	s3 =	sld [smem:$0x3FFC];
	_ =	sdelay $0x3  }
0x94: {  	_ =	strace s3  }
0x95: {  	s3 =	sld [smem:$0x3FFD];
	_ =	sdelay $0x3  }
0x96: {  	_ =	strace s3  }
0x97: {  	_ =	strace $0x8FFFFFFF  }
0x98: {  	s19 =	sld [smem:$0x3FDB];
	_ =	sdelay $0x1  }
0x99: {  	s4 =	simm.s32 $_scs_section_size  }
0x9a: {  	s5 =	simm.s32 $_size__tile_overlayer_lowered;
	s6 =	simm.s32 $_tile_overlayer_lowered  }
0x9b: {  	s22 =	simm.s32 $0x1BFF;
	s21 =	sshll.u32 s6, $0x1;
	s3 =	sadd.s32 s4, s19  }
0x9c: {  	s7 =	simm.s32 $0x0;
	s20 =	sshll.u32 s5, $0x1;
	s5 =	sadd.s32 s21, s3  }
0x9d: {  	[timem:s7], [sflag:s22] =	dma.local [hbm:s5], s20  }
0x9e: {  	_ =	swait.ge [sflag:s22], s20  }
0x9f: {  	s4 =	ssub.s32 $0x0, s20;
	[sflag:s22] =	ssyncset.done $0x0  }
0xa0: {  	[sflag:s22] =	ssyncadd.s32 s4;
	_ =	sdelay $0x1  }
0xa1: {  	s23 =	simm.s32 $0x1B8B  }
0xa2: {  	_ =	swait.ge [sflag:s23], $0x1  }
0xa3: {  	[sflag:s23] =	ssyncset.done $0x0  }
0xa4: {  	s25 =	simm.s32 $0x1B8E;
	s24 =	sld [smem:$0x3FFE];
	[sflag:s23] =	ssyncadd.s32 $0xFFFFFFFF  }
0xa5: {  	s26 =	simm.s32 $execute0_lowered;
	[smem:$0x3FD2] =	sst s25  }
0xa6: {  	s5 =	sshll.u32 s26, $0x1;
	_ =	strace $0x80000046;
	[dreg:$0x1] =	wrdreg $0xFFFFFFFF  }
0xa7: {  	s28 =	simm.s32 $_size_execute0_lowered;
	s3 =	sadd.s32 s3, s5;
	[dreg:$0x0] =	wrdreg $0x0  }
0xa8: {  	s5 =	sshll.u32 s28, $0x1;
	[dreg:$0x2] =	wrdreg s3  }
0xa9: {  	[dreg:$0x3] =	wrdreg s5  }
0xaa: {  	[dreg:$0x4] =	wrdreg $0xC0  }
0xab: {  	_ =	task [dreg:s7], $0x5FFFF  }
0xac: {  	[dreg:$0x1] =	wrdreg $0xFFFFFFFF  }
0xad: {  	[dreg:$0x0] =	wrdreg $0x60  }
0xae: {  	[dreg:$0x2] =	wrdreg s2  }
0xaf: {  	[dreg:$0x3] =	wrdreg s24  }
0xb0: {  	[dreg:$0x4] =	wrdreg $0xA8700  }
0xb1: {  	[dreg:$0x5] =	wrdreg $0xA5F00  }
0xb2: {  	[dreg:$0x6] =	wrdreg $0x9  }
0xb3: {  	_ =	task.clear_ibuf [dreg:s7], $0x7FFFF;
	_ =	strace $0x90000046  }
0xb4: {  	s29 =	simm.s32 $0x9;
	_ =	strace $0x80000048  }
0xb5: {  	_ =	swait.ge [sflag:s29], $0x1  }
0xb6: {  	[sflag:s29] =	ssyncadd.s32 $0xFFFFFFFF  }
0xb7: {  	_ =	strace $0x90000048  }
0xb8: {  	_ =	sfence  }
0xb9: {  	s30 =	sld [smem:$0x0];
	_ =	sdelay $0x2  }
0xba: {  	s31 =	sshll.u32 s1, $0xD;
	s1 =	sshrl.u32 s1, $0x2  }
0xbb: {  	s3 =	sand.u32 $0x4000, s31;
	s1 =	sadd.s32 s1, s30  }
0xbc: {  	s0 =	sor.u32 s3, s0;
	s1 =	sshll.u32 s1, $0x11  }
0xbd: {  	s0 =	sor.u32 s1, s0  }
0xbe: {  	s0 =	sadd.s32 $0x8F2B, s0  }
0xbf: {  	[sflag:s0] =	ssyncadd.remote.s32 $0x1  }
0xc0: {  	_ =	sfence.sel $0xFFFF  }
0xc1: {  	[dreg:$0x0] =	wrdreg $0xFFFFFFFF;
	(pc) =	sbr.abs _section_cstart, $3  }
0xc2: {  	[dreg:$0x1] =	wrdreg $0xFFFFFFFF  }
0xc3: {  	_ =	task.clear_ibuf [dreg:s7], $0x2FFFF;
	_ =	strace $0x9FFFFFFF  }
0xc4: {  	(tm) =	ssettm $0x7FFFFFFF  }
0xc5: {  	_ =	shalt  }
tec
execute0_lowered:
.L_overlay_start_1:
0x0: {  	(tag) =	ssettag $0x1  }
0x1: {  	s0 =	rddreg [dreg:$0x0]  }
0x2: {  	s1 =	rddreg [dreg:$0x1]  }
0x3: {  	s2 =	rddreg [dreg:$0x2];
	s3 =	srdreg.scid  }
0x4: {  	s4 =	rddreg [dreg:$0x3];
	s8 =	stileid.u32;
	s6 =	simm.s32 $0x0  }
0x5: {  	s14 =	simm.s32 $0x320;
	s15 =	simm.s32 $0x2;
	s16 =	simm.s32 $0x2B20  }
0x6: {  	s17 =	simm.s32 $0x5320;
	s21 =	simm.s32 $0x190;
	s22 =	simm.s32 $0x10  }
0x7: {  	s28 =	simm.s32 $0x0;
	s29 =	simm.s32 $0x0;
	s20 =	simm.s32 $0x0  }
0x8: {  	s3 =	sand.u32 $0x1, s3;
	s9 =	smul.u32 $0x14000, s8;
	[smem:$0x7FF] =	sst s6  }
0x9: {  	s6 =	sadd.s32 $0x5000, s1;
	s7 =	sadd.s32 $0xB400, s1;
	s24 =	sadd.s32 $0xBA00, s1  }
0xa: {  	p0 =	sne.s32 s8, $0x0;
	s31 =	sshll.u32 s8, $0x6;
	s5 =	smul.u32 $0x2800, s3  }
0xb: {  	s10 =	smul.u32 $0x140000, s3;
	_ =	strace $0x80000047;
	[dreg:$0x5] =	wrdreg s7  }
0xc: {  	s3 =	ssub.s32 $0x2, s3;
	[dreg:$0x6] =	wrdreg s24;
	s18 =	sor.u32 $0x1C02, s31  }
0xd: {  	s24 =	simm.s32 $0x7B20;
	s12 =	sshrl.u32 s3, $0x1;
	s23 =	sshrl.u32 s5, $0x3  }
0xe: {  	s10 =	sadd.s32 s9, s10;
	s3 =	ssub.s32 s3, s12;
	s9 =	sadd.s32 s9, s2  }
0xf: {  	s11 =	sadd.s32 s23, s1;
	s10 =	sshrl.u32 s10, $0x3;
	s3 =	smax.u32 s3, $0x1  }
0x10: {  	s19 =	sshrl.u32 s9, $0x3;
	s25 =	sadd.s32 $0xAA00, s11;
	[dreg:$0xa] =	wrdreg s3  }
0x11: {  	s23 =	simm.s32 $0x50;
	s26 =	sadd.s32 $0xA000, s11;
	[dreg:$0x7] =	wrdreg s25  }
0x12: {  	s10 =	sadd.s32 s10, s1;
	s3 =	sshrl.u32 @!p0 s4, $0x3;
	[dreg:$0x8] =	wrdreg s26  }
0x13: {  	v2 =	vimm.s32 $0x0;
	vm0 =	vcmask $0x300;
	s11 =	smul.u32 $0x2710, s8;
	s30 =	sadd.s32 $0xE200, s10;
	[dreg:$0xb] =	wrdreg s3  }
0x14: {  	v1 =	vlaneseq.u32;
	v2 =	vsel vm0, $0x3, v2;
	v0 =	vmov s5;
	s25 =	simm.s32 $0x1;
	s26 =	simm.s32 $0xA320;
	[dreg:$0x9] =	wrdreg s30  }
.LBB2_1:
0x15: {  	s7 =	simm.s32 $0x0;
	s3 =	rddreg [dreg:$0x7]  }
0x16: {  	[tilespmem:s14], [sflag:$0x2] =	stream.linear.gather [hbm4b:s3+s7], $0x2800, $0x38;
	[tilespmem:$0x1E870] =	vst v63  }
0x17: {  	_ =	swait.ge [sflag:s15], $0x2800  }
0x18: {  	[sflag:s15] =	ssyncset.done $0x0  }
0x19: {  	s31 =	rddreg [dreg:$0x8];
	[sflag:s15] =	ssyncadd.s32 $0xFFFFD800  }
0x1a: {  	[tilespmem:s16], [sflag:$0x2] =	stream.linear.gather [hbm4b:s31+s7], $0x2800, $0x38;
	[tilespmem:$0x1E870] =	vst v63  }
0x1b: {  	_ =	swait.ge [sflag:s15], $0x2800  }
0x1c: {  	[sflag:s15] =	ssyncset.done $0x0  }
0x1d: {  	s3 =	rddreg [dreg:$0x5];
	[sflag:s15] =	ssyncadd.s32 $0xFFFFD800  }
0x1e: {  	[tilespmem:s17], [sflag:$0x2] =	stream.linear.gather [hbm4b:s3+s7], $0x2800, $0x38;
	[tilespmem:$0x1E870] =	vst v63  }
0x1f: {  	_ =	swait.ge [sflag:s15], $0x2800  }
0x20: {  	[sflag:s15] =	ssyncset.done $0x0  }
0x21: {  	s5 =	rddreg [dreg:$0x6];
	[sflag:s15] =	ssyncadd.s32 $0xFFFFD800  }
0x22: {  	[spmem:s19], [sflag:s18] =	dma.local [hbm:s5], $0x2800  }
0x23: {  	_ =	swait.ge [sflag:s15], $0x2800  }
0x24: {  	[sflag:s15] =	ssyncset.done $0x0  }
0x25: {  	s5 =	rddreg [dreg:$0xb];
	[sflag:s15] =	ssyncadd.s32 $0xFFFFD800  }
0x26: {  	[spmem:s5], [sflag:s18] =	dma.local @!p0 [hbm:s3], $0x500  }
0x27: {  	s3 =	simm.s32 @!p0 $0x2  }
0x28: {  	_ =	swait.ge @!p0 [sflag:s3], $0x500  }
0x29: {  	[sflag:s3] =	ssyncset.done @!p0 $0x0  }
0x2a: {  	v3 =	vor.u32 s7, v1;
	s5 =	simm.s32 $0xA370;
	[sflag:s3] =	ssyncadd.s32 @!p0 $0xFFFFFB00  }
0x2b: {  	s8 =	simm.s32 $0x10;
	[tilespmem:s5+$0x0] =	vst v3  }
.LBB2_2:
0x2c: {  	p1 =	sne.s32 s8, $0x270  }
.Ltmp0:
0x2d: {  	_ = 	snop;
	(pc) =	sbr.rel @p1 .LBB2_2-.Ltmp0, $3  }
0x2e: {  	_ =	sdelay $0x1  }
0x2f: {  	v3 =	vor.u32 s8, v1;
	s8 =	sadd.s32 $0x10, s8;
	s5 =	sadd.s32 $0x10, s5  }
0x30: {  	s3 =	simm.s32 $0x0;
	[tilespmem:s5+$0x0] =	vst v3  }
0x31: {  	s8 =	simm.s32 $0x0  }
.LBB2_4:
0x32: {  	s5 =	smul.u32 $0x190, s8;
	_ =	sdelay $0x1  }
0x33: {  	s10 =	smul.u32 $0xCD, s3;
	s5 =	sadd.s32 s11, s5  }
0x34: {  	s5 =	sshrl.u32 s5, $0x3  }
0x35: {  	s13 =	sshrl.u32 s10, $0xA;
	s9 =	sadd.s32 s6, s5  }
0x36: {  	[tilespmem:s3], [sflag:$0x2] =	stream.linear.gather [hbm4b:s9+s3], $0x190, $0x38;
	[tilespmem:$0x1E870] =	vst v63  }
0x37: {  	s9 =	sand.u32 $0x3F, s13  }
0x38: {  	_ =	swait.ge [sflag:s15], $0x190;
	s30 =	smul.u32 $0x5, s9  }
0x39: {  	s5 =	sadd.s32 s1, s5;
	[sflag:s15] =	ssyncset.done $0x0  }
0x3a: {  	s9 =	smul.u32 $0x140, s9;
	[sflag:s15] =	ssyncadd.s32 $0xFFFFFE70;
	s31 =	ssub.s32 $0x0, s30  }
0x3b: {  	[tilespmem:s21], [sflag:$0x2] =	stream.linear.gather [hbm4b:s5+s3], $0x190, $0x38;
	[tilespmem:$0x1E870] =	vst v63  }
0x3c: {  	s5 =	sand.u32 $0xFF, s31;
	_ =	swait.ge [sflag:s15], $0x190  }
0x3d: {  	s9 =	sshrl.u32 s9, $0x2;
	s5 =	sshll.u32 s5, $0x4;
	[sflag:s15] =	ssyncset.done $0x0  }
0x3e: {  	s5 =	sadd.s32 s5, s9;
	[sflag:s15] =	ssyncadd.s32 $0xFFFFFE70  }
0x3f: {  	v3 =	vld [tilespmem:s5+$0x190]  }
0x40: {  	v4 =	vld [tilespmem:s3+$0x0];
	_ =	sdelay $0x6  }
0x41: {  	v5 =	vld.idx.msk [tilespmem:v3+s16+$0x0], $0xffff  }
0x42: {  	v4 =	vld.idx.msk [tilespmem:v4+s14+$0x0], $0xffff;
	_ =	sdelay $0x4  }
0x43: {  	v4 =	vadd.f32 v5, v4;
	_ =	sdelay $0x1  }
0x44: {  	v5 =	vmul.f32 $2.000000030e-01, v4  }
0x45: {  	vm0 =	vgt.f32 v4, $0.0e+00  }
0x46: {  	v4 =	vsel vm0, v4, v5  }
0x47: {  	v4 =	vmul.f32 $1.442695020e+00, v4;
	_ =	sdelay $0x1  }
0x48: {  	s10 =	simm.s32 $0x1;
	(erf) = vpow2.f32 v4  }
0x49: {  	s5 =	smul.u32 $0xCD, s10  }
0x4a: {  	s12 =	simm.s32 $0x2;
	s9 =	simm.s32 $0x0  }
.LBB2_5:
0x4b: {  	p1 =	sne.s32 s12, $0x18;
	s5 =	sshrl.u32 s5, $0xA  }
0x4c: {  	s5 =	sand.u32 $0x3F, s5  }
0x4d: {  	s13 =	smul.u32 $0x5, s5;
	_ =	sdelay $0x1  }
0x4e: {  	s5 =	smul.u32 $0x140, s5;
	s13 =	ssub.s32 s10, s13;
	s10 =	smov.u32 s12  }
0x4f: {  	s13 =	sand.u32 $0xFF, s13  }
0x50: {  	s5 =	sshrl.u32 s5, $0x2;
	s13 =	sshll.u32 s13, $0x4;
	v4 =	vpop (erf)  }
0x51: {  	s5 =	sadd.s32 s13, s5;
	[tilespmem:v3+s17+$0x0] =	vst.idx.add.f32.msk $0xffff, v4  }
0x52: {  	s9 =	sadd.s32 $0x10, s9;
	v3 =	vld [tilespmem:s5+$0x190]  }
0x53: {  	v4 =	vld [tilespmem:s9+$0x0];
	_ =	sdelay $0x6  }
0x54: {  	v5 =	vld.idx.msk [tilespmem:v3+s16+$0x0], $0xffff  }
0x55: {  	v4 =	vld.idx.msk [tilespmem:v4+s14+$0x0], $0xffff;
	_ =	sdelay $0x5  }
0x56: {  	v4 =	vadd.f32 v5, v4;
	_ =	sdelay $0x1  }
0x57: {  	v5 =	vmul.f32 $2.000000030e-01, v4  }
0x58: {  	vm0 =	vgt.f32 v4, $0.0e+00  }
0x59: {  	v4 =	vsel vm0, v4, v5  }
.Ltmp1:
0x5a: {  	v4 =	vmul.f32 $1.442695020e+00, v4;
	(pc) =	sbr.rel @p1 .LBB2_5-.Ltmp1, $4  }
0x5b: {  	_ = 	snop  }
0x5c: {  	(erf) = vpow2.f32 v4  }
0x5d: {  	s5 =	smul.u32 $0xCD, s12  }
0x5e: {  	s12 =	sadd.s32 $0x1, s12  }
0x5f: {  	s5 =	sshrl.u32 s5, $0xA  }
0x60: {  	s5 =	sand.u32 $0x3F, s5  }
0x61: {  	s12 =	smul.u32 $0x5, s5;
	_ =	sdelay $0x1  }
0x62: {  	s5 =	smul.u32 $0x140, s5;
	s10 =	ssub.s32 s10, s12  }
0x63: {  	s10 =	sand.u32 $0xFF, s10  }
0x64: {  	s5 =	sshrl.u32 s5, $0x2;
	s10 =	sshll.u32 s10, $0x4;
	v4 =	vpop (erf)  }
0x65: {  	s5 =	sadd.s32 s10, s5;
	[tilespmem:v3+s17+$0x0] =	vst.idx.add.f32.msk $0xffff, v4  }
0x66: {  	s31 =	sadd.s32 $0x10, s9;
	v3 =	vld [tilespmem:s5+$0x190]  }
0x67: {  	v4 =	vld [tilespmem:s31+$0x0];
	_ =	sdelay $0x6  }
0x68: {  	v5 =	vld.idx.msk [tilespmem:v3+s16+$0x0], $0xffff  }
0x69: {  	v4 =	vld.idx.msk [tilespmem:v4+s14+$0x0], $0xffff;
	_ =	sdelay $0x4  }
0x6a: {  	v4 =	vadd.f32 v5, v4;
	_ =	sdelay $0x1  }
0x6b: {  	v5 =	vmul.f32 $2.000000030e-01, v4  }
0x6c: {  	vm0 =	vgt.f32 v4, $0.0e+00  }
0x6d: {  	v4 =	vsel vm0, v4, v5  }
0x6e: {  	v4 =	vmul.f32 $1.442695020e+00, v4;
	_ =	sdelay $0x1  }
0x6f: {  	(erf) = vpow2.f32 v4;
	_ =	sdelay $0x3  }
0x70: {  	s8 =	sadd.s32 $0x1, s8  }
0x71: {  	p1 =	sne.s32 s8, $0x19  }
.Ltmp2:
0x72: {  	_ = 	snop;
	(pc) =	sbr.rel @p1 .LBB2_4-.Ltmp2, $3  }
0x73: {  	_ =	sdelay $0x1  }
0x74: {  	v4 =	vpop (erf)  }
0x75: {  	[tilespmem:v3+s17+$0x0] =	vst.idx.add.f32.msk $0xffff, v4  }
0x76: {  	[bflag:$0x0] =	sbarrier.arrive $0xFFFF;
	s3 =	simm.s32 $0x5320;
	s5 =	simm.s32 $0xA370  }
0x77: {  	[spmem:s4] =	stream.indirect.scatter.add.f32 [tilespmem:s3], [sflag:$0x2], $0x10, s5, s22, $0xb8;
	[tilespmem:$0x1E870] =	vst v63  }
0x78: {  	s5 =	simm.s32 $0x40;
	_ =	swait.ge [sflag:s15], $0x100  }
.LBB2_8:
0x79: {  	s8 =	sshra.s32 s5, $0x2  }
0x7a: {  	[sflag:s15] =	ssyncset.done $0x0;
	s3 =	sadd.s32 $0x100, s3;
	p1 =	sne.s32 s5, $0x9C0  }
.Ltmp3:
0x7b: {  	s8 =	sadd.s32 $0xA370, s8;
	[sflag:s15] =	ssyncadd.s32 $0xFFFFFF00;
	(pc) =	sbr.rel @p1 .LBB2_8-.Ltmp3, $3  }
0x7c: {  	[spmem:s4] =	stream.indirect.scatter.add.f32 [tilespmem:s3], [sflag:$0x2], $0x10, s8, s22, $0xb8;
	[tilespmem:$0x1E870] =	vst v63  }
0x7d: {  	s5 =	sadd.s32 $0x40, s5;
	_ =	sdelay $0x1  }
0x7e: {  	_ =	swait.ge [sflag:s15], $0x100  }
0x7f: {  	[sflag:s15] =	ssyncset.done $0x0  }
0x80: {  	[sflag:s15] =	ssyncadd.s32 $0xFFFFFF00  }
0x81: {  	[bflag:$0x0] =	sbarrier.arrive $0xFFFF  }
0x82: {  	[tilespmem:s17], [sflag:$0x2] =	stream.linear.gather [spmem:s4], $0x2800, $0x38;
	[tilespmem:$0x1E870] =	vst v63  }
0x83: {  	_ =	swait.ge [sflag:s15], $0x2800  }
0x84: {  	[sflag:s15] =	ssyncset.done $0x0  }
0x85: {  	s30 =	simm.s32 $0x0;
	[sflag:s15] =	ssyncadd.s32 $0xFFFFD800  }
.LBB2_10:
0x86: {  	s3 =	smul.u32 $0x190, s30;
	_ =	sdelay $0x1  }
0x87: {  	s3 =	sadd.s32 s11, s3  }
0x88: {  	s3 =	sshrl.u32 s3, $0x3  }
0x89: {  	s5 =	sadd.s32 s6, s3  }
0x8a: {  	[tilespmem:s29], [sflag:$0x2] =	stream.linear.gather [hbm4b:s5+s29], $0x190, $0x38;
	[tilespmem:$0x1E870] =	vst v63  }
0x8b: {  	_ =	swait.ge [sflag:s15], $0x190  }
0x8c: {  	[sflag:s15] =	ssyncset.done $0x0  }
0x8d: {  	s31 =	simm.s32 $0x190;
	s3 =	sadd.s32 s1, s3;
	[sflag:s15] =	ssyncadd.s32 $0xFFFFFE70  }
0x8e: {  	[tilespmem:s31], [sflag:$0x2] =	stream.linear.gather [hbm4b:s3+s29], $0x190, $0x38;
	[tilespmem:$0x1E870] =	vst v63  }
0x8f: {  	_ =	swait.ge [sflag:s15], $0x190  }
0x90: {  	[sflag:s15] =	ssyncset.done $0x0  }
0x91: {  	[sflag:s15] =	ssyncadd.s32 $0xFFFFFE70  }
0x92: {  	v3 =	vld [tilespmem:$0x0]  }
0x93: {  	v4 =	vld [tilespmem:$0x10]  }
0x94: {  	v5 =	vld [tilespmem:$0x20]  }
0x95: {  	v6 =	vld [tilespmem:$0x30]  }
0x96: {  	v7 =	vld [tilespmem:$0x40]  }
0x97: {  	v8 =	vld [tilespmem:$0x50];
	v3 =	vadd.s32 v0, v3  }
0x98: {  	v45 =	vld [tilespmem:$0x60];
	[tilespmem:$0x0] =	vst v3;
	v3 =	vadd.s32 v0, v4  }
0x99: {  	v46 =	vld [tilespmem:$0x70];
	[tilespmem:$0x10] =	vst v3;
	v3 =	vadd.s32 v0, v5  }
0x9a: {  	v47 =	vld [tilespmem:$0x80];
	[tilespmem:$0x20] =	vst v3;
	v3 =	vadd.s32 v0, v6  }
0x9b: {  	v48 =	vld [tilespmem:$0x90];
	[tilespmem:$0x30] =	vst v3;
	v3 =	vadd.s32 v0, v7  }
0x9c: {  	v49 =	vld [tilespmem:$0xA0];
	[tilespmem:$0x40] =	vst v3;
	v3 =	vadd.s32 v0, v8  }
0x9d: {  	v50 =	vld [tilespmem:$0xB0];
	[tilespmem:$0x50] =	vst v3;
	v3 =	vadd.s32 v0, v45  }
0x9e: {  	v51 =	vld [tilespmem:$0xC0];
	[tilespmem:$0x60] =	vst v3;
	v3 =	vadd.s32 v0, v46  }
0x9f: {  	v52 =	vld [tilespmem:$0xD0];
	[tilespmem:$0x70] =	vst v3;
	v3 =	vadd.s32 v0, v47  }
0xa0: {  	v53 =	vld [tilespmem:$0xE0];
	[tilespmem:$0x80] =	vst v3;
	v3 =	vadd.s32 v0, v48  }
0xa1: {  	v54 =	vld [tilespmem:$0xF0];
	[tilespmem:$0x90] =	vst v3;
	v3 =	vadd.s32 v0, v49  }
0xa2: {  	v55 =	vld [tilespmem:$0x100];
	[tilespmem:$0xA0] =	vst v3;
	v3 =	vadd.s32 v0, v50  }
0xa3: {  	v56 =	vld [tilespmem:$0x110];
	[tilespmem:$0xB0] =	vst v3;
	v3 =	vadd.s32 v0, v51  }
0xa4: {  	v57 =	vld [tilespmem:$0x120];
	[tilespmem:$0xC0] =	vst v3;
	v3 =	vadd.s32 v0, v52  }
0xa5: {  	v58 =	vld [tilespmem:$0x130];
	[tilespmem:$0xD0] =	vst v3;
	v3 =	vadd.s32 v0, v53  }
0xa6: {  	v59 =	vld [tilespmem:$0x140];
	[tilespmem:$0xE0] =	vst v3;
	v3 =	vadd.s32 v0, v54  }
0xa7: {  	v60 =	vld [tilespmem:$0x150];
	[tilespmem:$0xF0] =	vst v3;
	v3 =	vadd.s32 v0, v55  }
0xa8: {  	v61 =	vld [tilespmem:$0x160];
	[tilespmem:$0x100] =	vst v3;
	v3 =	vadd.s32 v0, v56  }
0xa9: {  	v62 =	vld [tilespmem:$0x170];
	[tilespmem:$0x110] =	vst v3;
	v3 =	vadd.s32 v0, v57  }
0xaa: {  	v63 =	vld [tilespmem:$0x180];
	[tilespmem:$0x120] =	vst v3;
	v3 =	vadd.s32 v0, v58  }
0xab: {  	[tilespmem:$0x130] =	vst v3;
	v3 =	vadd.s32 v0, v59  }
0xac: {  	[tilespmem:$0x140] =	vst v3;
	v3 =	vadd.s32 v0, v60  }
0xad: {  	[tilespmem:$0x150] =	vst v3;
	v3 =	vadd.s32 v0, v61  }
0xae: {  	[tilespmem:$0x160] =	vst v3;
	v3 =	vadd.s32 v0, v62  }
0xaf: {  	[tilespmem:$0x170] =	vst v3;
	v3 =	vadd.s32 v0, v63  }
0xb0: {  	s8 =	simm.s32 $0x0;
	s3 =	simm.s32 $0x0;
	[tilespmem:$0x180] =	vst v3  }
.LBB2_11:
0xb1: {  	s9 =	smul.u32 $0x50, s8  }
0xb2: {  	v3 =	vmov s3  }
0xb3: {  	[tilespmem:s24], [sflag:$0x1] =	stream.indirect.gather [hbm4b:s0+s23], $0x80, s9, s23, $0xb8;
	[tilespmem:$0x1E870] =	vst v63  }
0xb4: {  	_ =	swait.ge [sflag:s25], $0x2800  }
0xb5: {  	v4 =	vmov s31;
	[sflag:s25] =	ssyncset.done $0x0  }
0xb6: {  	s10 =	simm.s32 $0x0;
	[sflag:s25] =	ssyncadd.s32 $0xFFFFD800  }
0xb7: {  	v5 =	vld.idx.msk [tilespmem:v3+s10+$0x0 ss:$0x1], $0xffff;
	_ =	sdelay $0x2  }
0xb8: {  	v6 =	vld.idx.msk [tilespmem:v4+s10+$0x0 ss:$0x1], $0xffff;
	_ =	sdelay $0x1  }
0xb9: {  	v7 =	vsub.s32 v5, v0  }
0xba: {  	v5 =	vand.u32 $0x7, v5;
	v7 =	vand.u32 $0xFFFFFFF8, v7  }
0xbb: {  	v5 =	vor.u32 v5, v7;
	_ =	sdelay $0x3  }
0xbc: {  	v7 =	vld.idx.msk [tilespmem:v6+s16+$0x0], $0xffff  }
0xbd: {  	v8 =	vld.idx.msk [tilespmem:v5+s14+$0x0], $0xffff;
	_ =	sdelay $0x1  }
0xbe: {  	s12 =	simm.s32 $0x10  }
0xbf: {  	v9 =	vld.idx.msk [tilespmem:v3+s12+$0x0 ss:$0x1], $0xffff;
	_ =	sdelay $0x1  }
0xc0: {  	v7 =	vadd.f32 v7, v8  }
0xc1: {  	v5 =	vld.idx.msk [tilespmem:v4+s12+$0x0 ss:$0x1], $0xffff  }
0xc2: {  	v6 =	vld.idx.msk [tilespmem:v6+s17+$0x0], $0xffff;
	v8 =	vmul.f32 $2.000000030e-01, v7  }
0xc3: {  	v10 =	vsub.s32 v9, v0;
	vm0 =	vgt.f32 v7, $0.0e+00  }
0xc4: {  	v9 =	vand.u32 $0x7, v9;
	v8 =	vsel vm0, v7, v8;
	v7 =	vand.u32 $0xFFFFFFF8, v10  }
0xc5: {  	v7 =	vor.u32 v9, v7;
	_ =	sdelay $0x1  }
0xc6: {  	s13 =	simm.s32 $0x20;
	v11 =	vadd.f32 $1.000000020e-16, v6  }
0xc7: {  	v6 =	vld.idx.msk [tilespmem:v3+s13+$0x0 ss:$0x1], $0xffff;
	v8 =	vmul.f32 $1.442695020e+00, v8  }
0xc8: {  	s5 =	simm.s32 $0xC0;
	(erf) = vrcp.f32 v11;
	v9 =	vld.idx.msk [tilespmem:v5+s16+$0x0], $0xffff  }
.LBB2_12:
0xc9: {  	p1 =	sne.s32 s5, $0x100;
	v7 =	vld.idx.msk [tilespmem:v7+s14+$0x0], $0xffff;
	(erf) = vpow2.f32 v8;
	s7 =	smov.u32 s13;
	_ =	sdelay $0x2  }
0xca: {  	v10 =	vld.idx.msk [tilespmem:v4+s7+$0x0 ss:$0x1], $0xffff  }
0xcb: {  	v8 =	vld.idx.msk [tilespmem:v5+s17+$0x0], $0xffff;
	_ =	sdelay $0x1  }
0xcc: {  	v13 =	vsub.s32 v6, v0;
	v9 =	vadd.f32 v9, v7  }
0xcd: {  	v6 =	vand.u32 $0x7, v6;
	v13 =	vand.u32 $0xFFFFFFF8, v13  }
.Ltmp4:
0xce: {  	v7 =	vor.u32 v6, v13;
	v6 =	vmul.f32 $2.000000030e-01, v9;
	v11 =	vpop (erf);
	v5 =	vmov v10;
	(pc) =	sbr.rel @p1 .LBB2_12-.Ltmp4, $4  }
0xcf: {  	vm0 =	vgt.f32 v9, $0.0e+00;
	v12 =	vpop (erf)  }
0xd0: {  	s13 =	sshra.s32 s5, $0x2;
	v9 =	vsel vm0, v9, v6;
	v13 =	vadd.f32 $1.000000020e-16, v8;
	v11 =	vmul.f32 v12, v11  }
0xd1: {  	v8 =	vmul.f32 $1.442695020e+00, v9;
	v6 =	vld.idx.msk [tilespmem:v3+s13+$0x0 ss:$0x1], $0xffff  }
0xd2: {  	s5 =	sadd.s32 $0x40, s5;
	v9 =	vld.idx.msk [tilespmem:v10+s16+$0x0], $0xffff;
	(erf) = vrcp.f32 v13;
	[tilespmem:s10+$0xA320] =	vst v11;
	s10 =	smov.u32 s12;
	s12 =	smov.u32 s7  }
0xd3: {  	_ =	sdelay $0x3  }
0xd4: {  	v3 =	vld.idx.msk [tilespmem:v4+s13+$0x0 ss:$0x1], $0xffff;
	_ =	sdelay $0x1  }
0xd5: {  	v4 =	vsub.s32 v6, v0  }
0xd6: {  	v6 =	vand.u32 $0x7, v6;
	v4 =	vand.u32 $0xFFFFFFF8, v4  }
0xd7: {  	v4 =	vor.u32 v6, v4;
	_ =	sdelay $0x2  }
0xd8: {  	v6 =	vld.idx.msk [tilespmem:v7+s14+$0x0], $0xffff  }
0xd9: {  	v7 =	vld.idx.msk [tilespmem:v3+s16+$0x0], $0xffff  }
0xda: {  	v4 =	vld.idx.msk [tilespmem:v4+s14+$0x0], $0xffff;
	_ =	sdelay $0x1  }
0xdb: {  	v5 =	vld.idx.msk [tilespmem:v5+s17+$0x0], $0xffff  }
0xdc: {  	v6 =	vadd.f32 v9, v6  }
0xdd: {  	v3 =	vld.idx.msk [tilespmem:v3+s17+$0x0], $0xffff  }
0xde: {  	v9 =	vmul.f32 $2.000000030e-01, v6;
	v4 =	vadd.f32 v7, v4  }
0xdf: {  	vm0 =	vgt.f32 v6, $0.0e+00  }
0xe0: {  	v5 =	vadd.f32 $1.000000020e-16, v5;
	v6 =	vsel vm0, v6, v9;
	v7 =	vmul.f32 $2.000000030e-01, v4  }
0xe1: {  	(erf) = vpow2.f32 v8;
	v6 =	vmul.f32 $1.442695020e+00, v6;
	vm15 =	vgt.f32 v4, $0.0e+00  }
0xe2: {  	(erf) = vrcp.f32 v5;
	v3 =	vadd.f32 $1.000000020e-16, v3;
	v4 =	vsel vm15, v4, v7  }
0xe3: {  	(erf) = vpow2.f32 v6;
	v4 =	vmul.f32 $1.442695020e+00, v4  }
0xe4: {  	(erf) = vrcp.f32 v3  }
0xe5: {  	(erf) = vpow2.f32 v4;
	_ =	sdelay $0x2  }
0xe6: {  	s5 =	simm.s32 $0x1  }
0xe7: {  	s7 =	simm.s32 $0x7;
	v5 =	vmov s5;
	v3 =	vmov s20;
	v4 =	vpop (erf)  }
0xe8: {  	v5 =	vshrl.u32 v5, $0x3;
	v3 =	vshrl.u32 v3, $0x3;
	v7 =	vmov s7;
	v6 =	vpop (erf)  }
0xe9: {  	v5 =	vshll.u32 v5, v2;
	v3 =	vshll.u32 v3, v2;
	v7 =	vshrl.u32 v7, $0x3;
	v8 =	vpop (erf)  }
0xea: {  	v5 =	vadd.s32 $0x1, v5;
	v3 =	vbroadcast v3, $0x0;
	v7 =	vshll.u32 v7, v2;
	v9 =	vpop (erf)  }
0xeb: {  	v5 =	vbroadcast v5, $0x0;
	v7 =	vadd.s32 $0x7, v7;
	v4 =	vmul.f32 v6, v4;
	v6 =	vpop (erf)  }
0xec: {  	v7 =	vbroadcast v7, $0x0;
	v8 =	vmul.f32 v9, v8;
	v9 =	vpop (erf)  }
0xed: {  	[tilespmem:s10+$0xA320] =	vst v4;
	v4 =	vmul.f32 v9, v6  }
0xee: {  	[tilespmem:s12+$0xA320] =	vst v8  }
0xef: {  	[tilespmem:s13+$0xA320] =	vst v4  }
0xf0: {  	v4 =	vld.idx.msk [tilespmem:v3+s26+$0x0], $0xffff  }
0xf1: {  	v5 =	vld.idx.msk [tilespmem:v5+s26+$0x0], $0xffff  }
0xf2: {  	s10 =	simm.s32 $0x7D20;
	v3 =	vld.idx.msk [tilespmem:v7+s26+$0x0], $0xffff  }
0xf3: {  	v6 =	vld [tilespmem:s10+$0xFFFFFE00]  }
0xf4: {  	v7 =	vld [tilespmem:s10+$0xFFFFFE10]  }
0xf5: {  	v8 =	vld [tilespmem:s10+$0xFFFFFE20]  }
0xf6: {  	v9 =	vld [tilespmem:s10+$0xFFFFFE30]  }
0xf7: {  	v10 =	vld [tilespmem:s10+$0xFFFFFE40]  }
0xf8: {  	v11 =	vld [tilespmem:s10+$0xFFFFFE50]  }
0xf9: {  	v14 =	vld [tilespmem:s10+$0x1F0]  }
0xfa: {  	v13 =	vld [tilespmem:s10+$0xFFFFFE60]  }
0xfb: {  	v15 =	vld [tilespmem:s10+$0xFFFFFE80]  }
0xfc: {  	v16 =	vld [tilespmem:s10+$0xFFFFFE90]  }
0xfd: {  	s13 =	simm.s32 $0x2;
	v18 =	vld [tilespmem:s10+$0xFFFFFEB0];
	v6 =	vmul.f32 v6, v4  }
0xfe: {  	v12 =	vmov s13;
	v17 =	vld [tilespmem:s10+$0xFFFFFEA0];
	v14 =	vmul.f32 v14, v3  }
0xff: {  	v19 =	vld [tilespmem:s10+$0xFFFFFEC0];
	v12 =	vshrl.u32 v12, $0x3;
	v7 =	vmul.f32 v7, v4;
	[tilespmem:s10+$0xFFFFFE00] =	vst v6  }
0x100: {  	v8 =	vmul.f32 v8, v4;
	v6 =	vshll.u32 v12, v2;
	v12 =	vld [tilespmem:s10+$0xFFFFFE70];
	[tilespmem:s10+$0x1F0] =	vst v14  }
0x101: {  	v9 =	vmul.f32 v9, v4;
	v14 =	vmul.f32 v15, v5;
	v15 =	vld [tilespmem:s10+$0xFFFFFED0];
	[tilespmem:s10+$0xFFFFFE10] =	vst v7  }
0x102: {  	v18 =	vmul.f32 v18, v5;
	v7 =	vld [tilespmem:s10+$0xFFFFFEE0];
	[tilespmem:s10+$0xFFFFFE20] =	vst v8;
	v6 =	vadd.s32 $0x2, v6  }
0x103: {  	s7 =	simm.s32 $0x3;
	v8 =	vmul.f32 v10, v4;
	v10 =	vld [tilespmem:s10+$0xFFFFFEF0];
	[tilespmem:s10+$0xFFFFFE30] =	vst v9;
	v6 =	vbroadcast v6, $0x0  }
0x104: {  	v20 =	vmov s7;
	v9 =	vmul.f32 v11, v4;
	v11 =	vld [tilespmem:s10+$0xFFFFFF00];
	[tilespmem:s10+$0xFFFFFEB0] =	vst v18  }
0x105: {  	v20 =	vshrl.u32 v20, $0x3;
	v18 =	vld [tilespmem:s10+$0xFFFFFF80];
	[tilespmem:s10+$0xFFFFFE80] =	vst v14  }
0x106: {  	v14 =	vshll.u32 v20, v2;
	[tilespmem:s10+$0xFFFFFE40] =	vst v8;
	v8 =	vmul.f32 v13, v4;
	v13 =	vld [tilespmem:s10+$0xFFFFFF10]  }
0x107: {  	v19 =	vmul.f32 v19, v5;
	[tilespmem:s10+$0xFFFFFE50] =	vst v9;
	v9 =	vld [tilespmem:s10+$0xFFFFFF20];
	v14 =	vadd.s32 $0x3, v14  }
0x108: {  	v14 =	vbroadcast v14, $0x0;
	[tilespmem:s10+$0xFFFFFE60] =	vst v8;
	v8 =	vmul.f32 v16, v5;
	v16 =	vld [tilespmem:s10+$0xFFFFFF40]  }
0x109: {  	[tilespmem:s10+$0xFFFFFEC0] =	vst v19;
	v4 =	vmul.f32 v12, v4;
	v6 =	vld.idx.msk [tilespmem:v6+s26+$0x0], $0xffff  }
0x10a: {  	v12 =	vld [tilespmem:s10+$0xFFFFFF30];
	v15 =	vmul.f32 v15, v5;
	v7 =	vmul.f32 v7, v5;
	[tilespmem:s10+$0xFFFFFE90] =	vst v8  }
0x10b: {  	[tilespmem:s10+$0xFFFFFE70] =	vst v4;
	v4 =	vmul.f32 v17, v5;
	v5 =	vmul.f32 v10, v5;
	v10 =	vld [tilespmem:s10+$0xFFFFFF90]  }
0x10c: {  	[tilespmem:s10+$0xFFFFFED0] =	vst v15;
	v15 =	vld [tilespmem:s10+$0xFFFFFFD0]  }
0x10d: {  	[tilespmem:s10+$0xFFFFFEA0] =	vst v4;
	v4 =	vld [tilespmem:s10+$0xFFFFFF60]  }
0x10e: {  	s12 =	simm.s32 $0x4;
	[tilespmem:s10+$0xFFFFFEE0] =	vst v7;
	v14 =	vld.idx.msk [tilespmem:v14+s26+$0x0], $0xffff;
	v8 =	vmul.f32 v11, v6  }
0x10f: {  	v17 =	vmov s12;
	[tilespmem:s10+$0xFFFFFEF0] =	vst v5;
	v11 =	vld [tilespmem:s10+$0xFFFFFF50];
	v7 =	vmul.f32 v13, v6  }
0x110: {  	v17 =	vshrl.u32 v17, $0x3;
	v13 =	vld [tilespmem:s10+$0xFFFFFFA0];
	v5 =	vmul.f32 v9, v6;
	[tilespmem:s10+$0xFFFFFF00] =	vst v8  }
0x111: {  	v9 =	vld [tilespmem:s10+$0xFFFFFFB0];
	v16 =	vmul.f32 v16, v6;
	v8 =	vshll.u32 v17, v2;
	[tilespmem:s10+$0xFFFFFF10] =	vst v7  }
0x112: {  	s13 =	simm.s32 $0x5;
	v4 =	vmul.f32 v4, v6;
	v17 =	vld [tilespmem:s10+$0xFFFFFF70];
	v7 =	vmul.f32 v12, v6;
	[tilespmem:s10+$0xFFFFFF20] =	vst v5;
	v8 =	vadd.s32 $0x4, v8  }
0x113: {  	v12 =	vld [tilespmem:s10+$0xFFFFFFC0];
	v5 =	vmul.f32 v18, v14;
	v18 =	vmov s13;
	[tilespmem:s10+$0xFFFFFF40] =	vst v16;
	v8 =	vbroadcast v8, $0x0  }
0x114: {  	v16 =	vld [tilespmem:s10+$0xFFFFFFF0];
	v18 =	vshrl.u32 v18, $0x3;
	[tilespmem:s10+$0xFFFFFF60] =	vst v4  }
0x115: {  	v15 =	vmul.f32 v15, v14;
	v4 =	vmul.f32 v10, v14;
	v10 =	vld [tilespmem:s10+$0x10];
	[tilespmem:s10+$0xFFFFFF80] =	vst v5;
	v5 =	vshll.u32 v18, v2  }
0x116: {  	[tilespmem:s10+$0xFFFFFF30] =	vst v7;
	v7 =	vld [tilespmem:s10+$0xFFFFFFE0];
	v11 =	vmul.f32 v11, v6;
	v5 =	vadd.s32 $0x5, v5  }
0x117: {  	[tilespmem:s10+$0xFFFFFFD0] =	vst v15;
	v15 =	vld [tilespmem:s10+$0x70];
	v5 =	vbroadcast v5, $0x0  }
0x118: {  	[tilespmem:s10+$0xFFFFFF50] =	vst v11;
	v6 =	vmul.f32 v17, v6;
	v11 =	vld [tilespmem:s10+$0x0]  }
0x119: {  	[tilespmem:s10+$0xFFFFFF90] =	vst v4;
	v4 =	vmul.f32 v9, v14;
	v8 =	vld.idx.msk [tilespmem:v8+s26+$0x0], $0xffff  }
0x11a: {  	v9 =	vld [tilespmem:s10+$0x30];
	[tilespmem:s10+$0xFFFFFF70] =	vst v6;
	v6 =	vmul.f32 v13, v14  }
0x11b: {  	[tilespmem:s10+$0xFFFFFFB0] =	vst v4;
	v13 =	vld [tilespmem:s10+$0x20];
	v7 =	vmul.f32 v7, v14  }
0x11c: {  	[tilespmem:s10+$0xFFFFFFA0] =	vst v6;
	v6 =	vmul.f32 v12, v14;
	v12 =	vld [tilespmem:s10+$0x40]  }
0x11d: {  	v14 =	vmul.f32 v16, v14;
	[tilespmem:s10+$0xFFFFFFE0] =	vst v7;
	v5 =	vld.idx.msk [tilespmem:v5+s26+$0x0], $0xffff  }
0x11e: {  	s7 =	simm.s32 $0x6;
	[tilespmem:s10+$0xFFFFFFC0] =	vst v6;
	v6 =	vld [tilespmem:s10+$0x60];
	v4 =	vmul.f32 v11, v8  }
0x11f: {  	v17 =	vmov s7;
	[tilespmem:s10+$0xFFFFFFF0] =	vst v14;
	v14 =	vld [tilespmem:s10+$0x90];
	v7 =	vmul.f32 v10, v8  }
0x120: {  	v17 =	vshrl.u32 v17, $0x3;
	v11 =	vld [tilespmem:s10+$0x50];
	v13 =	vmul.f32 v13, v8;
	[tilespmem:s10+$0x0] =	vst v4  }
0x121: {  	v10 =	vld [tilespmem:s10+$0x80];
	v12 =	vmul.f32 v12, v8;
	v4 =	vshll.u32 v17, v2;
	[tilespmem:s10+$0x10] =	vst v7  }
0x122: {  	v18 =	vld [tilespmem:s10+$0x100];
	v7 =	vmul.f32 v9, v8;
	[tilespmem:s10+$0x20] =	vst v13;
	v4 =	vadd.s32 $0x6, v4  }
0x123: {  	v9 =	vld [tilespmem:s10+$0xA0];
	[tilespmem:s10+$0x40] =	vst v12;
	v6 =	vmul.f32 v6, v8;
	v4 =	vbroadcast v4, $0x0  }
0x124: {  	v13 =	vld [tilespmem:s10+$0xB0];
	v14 =	vmul.f32 v14, v5;
	[tilespmem:s10+$0x30] =	vst v7  }
0x125: {  	s12 =	simm.s32 $0x8;
	s13 =	simm.s32 $0x9;
	v7 =	vmul.f32 v11, v8;
	v11 =	vld [tilespmem:s10+$0xC0];
	[tilespmem:s10+$0x60] =	vst v6  }
0x126: {  	v16 =	vmov s12;
	v12 =	vld [tilespmem:s10+$0xD0];
	v10 =	vmul.f32 v10, v5;
	v6 =	vmov s13;
	s13 =	simm.s32 $0xC;
	[tilespmem:s10+$0x90] =	vst v14  }
0x127: {  	v8 =	vmul.f32 v15, v8;
	v15 =	vshrl.u32 v16, $0x3;
	v17 =	vmov s13;
	[tilespmem:s10+$0x50] =	vst v7;
	v7 =	vld [tilespmem:s10+$0xE0]  }
0x128: {  	s7 =	simm.s32 $0xA;
	s12 =	simm.s32 $0xB;
	v16 =	vld [tilespmem:s10+$0xF0];
	v15 =	vshll.u32 v15, v2;
	v21 =	vshrl.u32 v6, $0x3;
	[tilespmem:s10+$0x80] =	vst v10;
	v9 =	vmul.f32 v9, v5  }
0x129: {  	s13 =	simm.s32 $0xE;
	v10 =	vmov s7;
	[tilespmem:s10+$0x70] =	vst v8;
	v8 =	vmov s12;
	s12 =	simm.s32 $0xD;
	v13 =	vmul.f32 v13, v5;
	v4 =	vld.idx.msk [tilespmem:v4+s26+$0x0], $0xffff  }
0x12a: {  	v14 =	vld [tilespmem:s10+$0x110];
	v20 =	vmov s13;
	v19 =	vmov s12;
	[tilespmem:s10+$0xA0] =	vst v9;
	v6 =	vmul.f32 v11, v5  }
0x12b: {  	v10 =	vshrl.u32 v10, $0x3;
	v8 =	vshrl.u32 v8, $0x3;
	v9 =	vld [tilespmem:s10+$0x120];
	[tilespmem:s10+$0xB0] =	vst v13;
	v11 =	vmul.f32 v12, v5  }
0x12c: {  	v13 =	vshrl.u32 v17, $0x3;
	v17 =	vshrl.u32 v20, $0x3;
	v12 =	vld [tilespmem:s10+$0x130];
	[tilespmem:s10+$0xC0] =	vst v6;
	v7 =	vmul.f32 v7, v5  }
0x12d: {  	v10 =	vshll.u32 v10, v2;
	v6 =	vbroadcast v15, $0x0;
	v15 =	vld [tilespmem:s10+$0x140];
	[tilespmem:s10+$0xD0] =	vst v11;
	v5 =	vmul.f32 v16, v5  }
0x12e: {  	v13 =	vshll.u32 v13, v2;
	v63 =	vshll.u32 v17, v2;
	[tilespmem:s10+$0xE0] =	vst v7;
	v16 =	vmul.f32 v18, v4;
	v18 =	vld [tilespmem:s10+$0x150]  }
0x12f: {  	v20 =	vld [tilespmem:s10+$0x160];
	v13 =	vadd.s32 $0x4, v13;
	v7 =	vshll.u32 v8, v2;
	[tilespmem:s10+$0xF0] =	vst v5;
	v8 =	vmul.f32 v14, v4  }
0x130: {  	v11 =	vshrl.u32 v19, $0x3;
	v19 =	vshll.u32 v21, v2;
	v5 =	vld [tilespmem:s10+$0x170];
	v9 =	vmul.f32 v9, v4;
	[tilespmem:s10+$0x100] =	vst v16  }
0x131: {  	v14 =	vadd.s32 $0x1, v19;
	v19 =	vadd.s32 $0x2, v10;
	v10 =	vmul.f32 v12, v4;
	[tilespmem:s10+$0x110] =	vst v8;
	v8 =	vld [tilespmem:s10+$0x180]  }
0x132: {  	v11 =	vshll.u32 v11, v2;
	v17 =	vadd.s32 $0x3, v7;
	[tilespmem:s10+$0x120] =	vst v9;
	v22 =	vmul.f32 v15, v4;
	v9 =	vld [tilespmem:s10+$0x190]  }
0x133: {  	v7 =	vbroadcast v14, $0x0;
	v14 =	vadd.s32 $0x5, v11;
	[tilespmem:s10+$0x130] =	vst v10;
	v10 =	vld [tilespmem:s10+$0x1A0];
	v16 =	vmul.f32 v18, v4  }
0x134: {  	s5 =	simm.s32 $0xF;
	s12 =	simm.s32 $0x10;
	v12 =	vbroadcast v19, $0x0;
	v11 =	vld [tilespmem:s10+$0x1B0];
	v15 =	vadd.s32 $0x6, v63;
	[tilespmem:s10+$0x140] =	vst v22;
	v18 =	vmul.f32 v20, v4  }
.LBB2_14:
0x135: {  	p1 =	slt.u32 s12, $0x48;
	v17 =	vbroadcast v17, $0x0;
	v19 =	vmov s5;
	[tilespmem:s10+$0x150] =	vst v16;
	v4 =	vmul.f32 v5, v4;
	v5 =	vld [tilespmem:s10+$0x1C0]  }
0x136: {  	v13 =	vbroadcast v13, $0x0;
	v16 =	vshrl.u32 v19, $0x3;
	[tilespmem:s10+$0x160] =	vst v18;
	v8 =	vmul.f32 v8, v3;
	v18 =	vld [tilespmem:s10+$0x1D0]  }
0x137: {  	v14 =	vbroadcast v14, $0x0;
	v16 =	vshll.u32 v16, v2;
	[tilespmem:s10+$0x170] =	vst v4;
	v4 =	vmul.f32 v9, v3;
	v9 =	vld [tilespmem:s10+$0x1E0]  }
0x138: {  	v15 =	vbroadcast v15, $0x0;
	v19 =	vld.idx.msk [tilespmem:v6+s26+$0x0], $0xffff;
	v6 =	vadd.s32 $0x7, v16;
	[tilespmem:s10+$0x180] =	vst v8;
	v8 =	vmul.f32 v10, v3  }
0x139: {  	v10 =	vld.idx.msk [tilespmem:v7+s26+$0x0], $0xffff;
	v16 =	vbroadcast v6, $0x0;
	[tilespmem:s10+$0x190] =	vst v4;
	v4 =	vmul.f32 v11, v3  }
0x13a: {  	v11 =	vld.idx.msk [tilespmem:v12+s26+$0x0], $0xffff;
	[tilespmem:s10+$0x1A0] =	vst v8;
	v5 =	vmul.f32 v5, v3  }
0x13b: {  	v7 =	vld.idx.msk [tilespmem:v17+s26+$0x0], $0xffff;
	[tilespmem:s10+$0x1B0] =	vst v4;
	v4 =	vmul.f32 v18, v3  }
0x13c: {  	v6 =	vld.idx.msk [tilespmem:v13+s26+$0x0], $0xffff;
	[tilespmem:s10+$0x1C0] =	vst v5;
	v3 =	vmul.f32 v9, v3  }
0x13d: {  	v5 =	vld.idx.msk [tilespmem:v14+s26+$0x0], $0xffff;
	[tilespmem:s10+$0x1D0] =	vst v4  }
0x13e: {  	v4 =	vld.idx.msk [tilespmem:v15+s26+$0x0], $0xffff;
	[tilespmem:s10+$0x1E0] =	vst v3  }
0x13f: {  	s10 =	sadd.s32 $0x400, s10;
	v3 =	vld.idx.msk [tilespmem:v16+s26+$0x0], $0xffff  }
0x140: {  	v8 =	vld [tilespmem:s10+$0x1F0]  }
0x141: {  	v9 =	vld [tilespmem:s10+$0xFFFFFE00]  }
0x142: {  	v12 =	vld [tilespmem:s10+$0xFFFFFE10]  }
0x143: {  	v13 =	vld [tilespmem:s10+$0xFFFFFE20]  }
0x144: {  	v14 =	vld [tilespmem:s10+$0xFFFFFE30]  }
0x145: {  	v15 =	vld [tilespmem:s10+$0xFFFFFE40];
	v8 =	vmul.f32 v8, v3  }
0x146: {  	v9 =	vmul.f32 v9, v19;
	v16 =	vld [tilespmem:s10+$0xFFFFFE50]  }
0x147: {  	v12 =	vmul.f32 v12, v19;
	v17 =	vld [tilespmem:s10+$0xFFFFFE60];
	[tilespmem:s10+$0x1F0] =	vst v8  }
0x148: {  	[tilespmem:s10+$0xFFFFFE00] =	vst v9;
	v8 =	vmul.f32 v13, v19;
	v9 =	vld [tilespmem:s10+$0xFFFFFE70]  }
0x149: {  	[tilespmem:s10+$0xFFFFFE10] =	vst v12;
	v12 =	vmul.f32 v14, v19;
	v13 =	vld [tilespmem:s10+$0xFFFFFE80]  }
0x14a: {  	[tilespmem:s10+$0xFFFFFE20] =	vst v8;
	v8 =	vmul.f32 v15, v19;
	v14 =	vld [tilespmem:s10+$0xFFFFFE90]  }
0x14b: {  	[tilespmem:s10+$0xFFFFFE30] =	vst v12;
	v12 =	vmul.f32 v16, v19;
	v15 =	vld [tilespmem:s10+$0xFFFFFEA0]  }
0x14c: {  	[tilespmem:s10+$0xFFFFFE40] =	vst v8;
	v8 =	vmul.f32 v17, v19;
	v16 =	vld [tilespmem:s10+$0xFFFFFEB0]  }
0x14d: {  	[tilespmem:s10+$0xFFFFFE50] =	vst v12;
	v9 =	vmul.f32 v9, v19;
	v12 =	vld [tilespmem:s10+$0xFFFFFEC0]  }
0x14e: {  	[tilespmem:s10+$0xFFFFFE60] =	vst v8;
	v8 =	vmul.f32 v13, v10;
	v13 =	vld [tilespmem:s10+$0xFFFFFED0]  }
0x14f: {  	[tilespmem:s10+$0xFFFFFE70] =	vst v9;
	v9 =	vmul.f32 v14, v10;
	v14 =	vld [tilespmem:s10+$0xFFFFFEE0]  }
0x150: {  	[tilespmem:s10+$0xFFFFFE80] =	vst v8;
	v8 =	vmul.f32 v15, v10;
	v15 =	vld [tilespmem:s10+$0xFFFFFEF0]  }
0x151: {  	[tilespmem:s10+$0xFFFFFE90] =	vst v9;
	v9 =	vmul.f32 v16, v10;
	v16 =	vld [tilespmem:s10+$0xFFFFFF00]  }
0x152: {  	[tilespmem:s10+$0xFFFFFEA0] =	vst v8;
	v8 =	vmul.f32 v12, v10;
	v12 =	vld [tilespmem:s10+$0xFFFFFF10]  }
0x153: {  	[tilespmem:s10+$0xFFFFFEB0] =	vst v9;
	v9 =	vmul.f32 v13, v10;
	v13 =	vld [tilespmem:s10+$0xFFFFFF20]  }
0x154: {  	[tilespmem:s10+$0xFFFFFEC0] =	vst v8;
	v8 =	vmul.f32 v14, v10;
	v14 =	vld [tilespmem:s10+$0xFFFFFF30]  }
0x155: {  	[tilespmem:s10+$0xFFFFFED0] =	vst v9;
	v9 =	vmul.f32 v15, v10;
	v10 =	vld [tilespmem:s10+$0xFFFFFF40]  }
0x156: {  	[tilespmem:s10+$0xFFFFFEE0] =	vst v8;
	v8 =	vmul.f32 v16, v11;
	v15 =	vld [tilespmem:s10+$0xFFFFFF50]  }
0x157: {  	[tilespmem:s10+$0xFFFFFEF0] =	vst v9;
	v9 =	vmul.f32 v12, v11;
	v12 =	vld [tilespmem:s10+$0xFFFFFF60]  }
0x158: {  	[tilespmem:s10+$0xFFFFFF00] =	vst v8;
	v8 =	vmul.f32 v13, v11;
	v13 =	vld [tilespmem:s10+$0xFFFFFF70]  }
0x159: {  	[tilespmem:s10+$0xFFFFFF10] =	vst v9;
	v9 =	vmul.f32 v14, v11;
	v14 =	vld [tilespmem:s10+$0xFFFFFF80]  }
0x15a: {  	[tilespmem:s10+$0xFFFFFF20] =	vst v8;
	v8 =	vmul.f32 v10, v11;
	v10 =	vld [tilespmem:s10+$0xFFFFFF90]  }
0x15b: {  	[tilespmem:s10+$0xFFFFFF30] =	vst v9;
	v9 =	vmul.f32 v15, v11;
	v15 =	vld [tilespmem:s10+$0xFFFFFFA0]  }
0x15c: {  	[tilespmem:s10+$0xFFFFFF40] =	vst v8;
	v8 =	vmul.f32 v12, v11;
	v12 =	vld [tilespmem:s10+$0xFFFFFFB0]  }
0x15d: {  	[tilespmem:s10+$0xFFFFFF50] =	vst v9;
	v9 =	vmul.f32 v13, v11;
	v11 =	vld [tilespmem:s10+$0xFFFFFFC0]  }
0x15e: {  	[tilespmem:s10+$0xFFFFFF60] =	vst v8;
	v8 =	vmul.f32 v14, v7;
	v13 =	vld [tilespmem:s10+$0xFFFFFFD0]  }
0x15f: {  	[tilespmem:s10+$0xFFFFFF70] =	vst v9;
	v9 =	vmul.f32 v10, v7;
	v10 =	vld [tilespmem:s10+$0xFFFFFFE0]  }
0x160: {  	[tilespmem:s10+$0xFFFFFF80] =	vst v8;
	v8 =	vmul.f32 v15, v7;
	v14 =	vld [tilespmem:s10+$0xFFFFFFF0]  }
0x161: {  	[tilespmem:s10+$0xFFFFFF90] =	vst v9;
	v9 =	vmul.f32 v12, v7;
	v12 =	vld [tilespmem:s10+$0x0]  }
0x162: {  	[tilespmem:s10+$0xFFFFFFA0] =	vst v8;
	v8 =	vmul.f32 v11, v7;
	v11 =	vld [tilespmem:s10+$0x10]  }
0x163: {  	[tilespmem:s10+$0xFFFFFFB0] =	vst v9;
	v9 =	vmul.f32 v13, v7;
	v13 =	vld [tilespmem:s10+$0x20]  }
0x164: {  	[tilespmem:s10+$0xFFFFFFC0] =	vst v8;
	v8 =	vmul.f32 v10, v7;
	v10 =	vld [tilespmem:s10+$0x30]  }
0x165: {  	[tilespmem:s10+$0xFFFFFFD0] =	vst v9;
	v7 =	vmul.f32 v14, v7;
	v9 =	vld [tilespmem:s10+$0x40]  }
0x166: {  	[tilespmem:s10+$0xFFFFFFE0] =	vst v8;
	v8 =	vmul.f32 v12, v6;
	v12 =	vld [tilespmem:s10+$0x50]  }
0x167: {  	[tilespmem:s10+$0xFFFFFFF0] =	vst v7;
	v7 =	vmul.f32 v11, v6;
	v11 =	vld [tilespmem:s10+$0x60]  }
0x168: {  	[tilespmem:s10+$0x0] =	vst v8;
	v8 =	vmul.f32 v13, v6;
	v13 =	vld [tilespmem:s10+$0x70]  }
0x169: {  	[tilespmem:s10+$0x10] =	vst v7;
	v7 =	vmul.f32 v10, v6;
	v10 =	vld [tilespmem:s10+$0x80]  }
0x16a: {  	[tilespmem:s10+$0x20] =	vst v8;
	v8 =	vmul.f32 v9, v6;
	v9 =	vld [tilespmem:s10+$0x90]  }
0x16b: {  	[tilespmem:s10+$0x30] =	vst v7;
	v7 =	vmul.f32 v12, v6;
	v12 =	vld [tilespmem:s10+$0xA0]  }
0x16c: {  	[tilespmem:s10+$0x40] =	vst v8;
	v8 =	vmul.f32 v11, v6;
	v11 =	vld [tilespmem:s10+$0xB0]  }
0x16d: {  	v14 =	vmov s12;
	[tilespmem:s10+$0x50] =	vst v7;
	v6 =	vmul.f32 v13, v6;
	v7 =	vld [tilespmem:s10+$0xC0]  }
0x16e: {  	s5 =	sadd.s32 $0x1, s12;
	s7 =	sadd.s32 $0x2, s12;
	v13 =	vshrl.u32 v14, $0x3;
	[tilespmem:s10+$0x60] =	vst v8;
	v8 =	vmul.f32 v10, v5;
	v10 =	vld [tilespmem:s10+$0xD0]  }
0x16f: {  	v15 =	vmov s7;
	s7 =	sadd.s32 $0x4, s12;
	v14 =	vmov s5;
	s5 =	sadd.s32 $0x3, s12;
	[tilespmem:s10+$0x70] =	vst v6;
	v6 =	vmul.f32 v9, v5;
	v9 =	vld [tilespmem:s10+$0xE0]  }
0x170: {  	v17 =	vmov s7;
	s7 =	sadd.s32 $0x6, s12;
	v16 =	vmov s5;
	s5 =	sadd.s32 $0x5, s12;
	[tilespmem:s10+$0x80] =	vst v8;
	v8 =	vmul.f32 v12, v5;
	v12 =	vld [tilespmem:s10+$0xF0]  }
0x171: {  	v19 =	vmov s7;
	v18 =	vmov s5;
	[tilespmem:s10+$0x90] =	vst v6;
	v6 =	vmul.f32 v11, v5;
	v11 =	vld [tilespmem:s10+$0x100]  }
0x172: {  	v13 =	vshll.u32 v13, v2;
	v14 =	vshrl.u32 v14, $0x3;
	[tilespmem:s10+$0xA0] =	vst v8;
	v7 =	vmul.f32 v7, v5;
	v8 =	vld [tilespmem:s10+$0x110]  }
0x173: {  	v15 =	vshrl.u32 v15, $0x3;
	v16 =	vshrl.u32 v16, $0x3;
	[tilespmem:s10+$0xB0] =	vst v6;
	v10 =	vmul.f32 v10, v5;
	v20 =	vld [tilespmem:s10+$0x120]  }
0x174: {  	v17 =	vshrl.u32 v17, $0x3;
	v18 =	vshrl.u32 v18, $0x3;
	[tilespmem:s10+$0xC0] =	vst v7;
	v7 =	vmul.f32 v9, v5;
	v9 =	vld [tilespmem:s10+$0x130]  }
0x175: {  	v6 =	vbroadcast v13, $0x0;
	v13 =	vshrl.u32 v19, $0x3;
	[tilespmem:s10+$0xD0] =	vst v10;
	v5 =	vmul.f32 v12, v5;
	v10 =	vld [tilespmem:s10+$0x140]  }
0x176: {  	v12 =	vshll.u32 v14, v2;
	v14 =	vshll.u32 v15, v2;
	[tilespmem:s10+$0xE0] =	vst v7;
	v7 =	vmul.f32 v11, v4;
	v11 =	vld [tilespmem:s10+$0x150]  }
0x177: {  	v15 =	vshll.u32 v16, v2;
	v16 =	vshll.u32 v17, v2;
	[tilespmem:s10+$0xF0] =	vst v5;
	v8 =	vmul.f32 v8, v4;
	v19 =	vld [tilespmem:s10+$0x160]  }
.Ltmp5:
0x178: {  	v18 =	vshll.u32 v18, v2;
	v21 =	vshll.u32 v13, v2;
	[tilespmem:s10+$0x100] =	vst v7;
	v7 =	vmul.f32 v20, v4;
	v5 =	vld [tilespmem:s10+$0x170];
	(pc) =	sbr.rel @p1 .LBB2_14-.Ltmp5, $4  }
0x179: {  	v12 =	vadd.s32 $0x1, v12;
	v20 =	vadd.s32 $0x2, v14;
	[tilespmem:s10+$0x110] =	vst v8;
	v22 =	vmul.f32 v9, v4;
	v8 =	vld [tilespmem:s10+$0x180]  }
0x17a: {  	v17 =	vadd.s32 $0x3, v15;
	v13 =	vadd.s32 $0x4, v16;
	[tilespmem:s10+$0x120] =	vst v7;
	v23 =	vmul.f32 v10, v4;
	v9 =	vld [tilespmem:s10+$0x190]  }
0x17b: {  	v14 =	vadd.s32 $0x5, v18;
	v7 =	vbroadcast v12, $0x0;
	[tilespmem:s10+$0x130] =	vst v22;
	v16 =	vmul.f32 v11, v4;
	v10 =	vld [tilespmem:s10+$0x1A0]  }
0x17c: {  	s5 =	sadd.s32 $0x7, s12;
	s12 =	sadd.s32 $0x8, s12;
	v15 =	vadd.s32 $0x6, v21;
	v12 =	vbroadcast v20, $0x0;
	[tilespmem:s10+$0x140] =	vst v23;
	v18 =	vmul.f32 v19, v4;
	v11 =	vld [tilespmem:s10+$0x1B0]  }
0x17d: {  	_ = 	snop  }
0x17e: {  	v20 =	vld [tilespmem:s10+$0x1C0]  }
0x17f: {  	v21 =	vld [tilespmem:s10+$0x1D0]  }
0x180: {  	v22 =	vld [tilespmem:s10+$0x1E0]  }
0x181: {  	v19 =	vmov s5;
	v23 =	vld.idx.msk [tilespmem:v6+s26+$0x0], $0xffff  }
0x182: {  	v60 =	vld.idx.msk [tilespmem:v7+s26+$0x0], $0xffff;
	v19 =	vshrl.u32 v19, $0x3  }
0x183: {  	s12 =	sadd.s32 $0x400, s10;
	v12 =	vld.idx.msk [tilespmem:v12+s26+$0x0], $0xffff;
	v19 =	vshll.u32 v19, v2  }
0x184: {  	[tilespmem:s10+$0x150] =	vst v16;
	v16 =	vld [tilespmem:s12+$0xFFFFFE00];
	v59 =	vadd.s32 $0x7, v19  }
0x185: {  	v25 =	vld [tilespmem:s12+$0xFFFFFE30];
	v24 =	vbroadcast v59, $0x0  }
0x186: {  	v4 =	vmul.f32 v5, v4;
	v26 =	vld [tilespmem:s12+$0xFFFFFE40]  }
0x187: {  	[tilespmem:s10+$0x160] =	vst v18;
	v8 =	vmul.f32 v8, v3;
	v27 =	vld [tilespmem:s12+$0xFFFFFE50]  }
0x188: {  	v28 =	vld [tilespmem:s12+$0xFFFFFE60];
	[tilespmem:s10+$0x170] =	vst v4;
	v9 =	vmul.f32 v9, v3  }
0x189: {  	v29 =	vld [tilespmem:s12+$0xFFFFFE70];
	[tilespmem:s10+$0x180] =	vst v8;
	v61 =	vmul.f32 v10, v3  }
0x18a: {  	v30 =	vld [tilespmem:s12+$0xFFFFFE80];
	[tilespmem:s10+$0x190] =	vst v9;
	v63 =	vmul.f32 v11, v3  }
0x18b: {  	[tilespmem:s10+$0x1A0] =	vst v61;
	v18 =	vmul.f32 v20, v3;
	v4 =	vld.idx.msk [tilespmem:v24+s26+$0x0], $0xffff  }
0x18c: {  	v21 =	vmul.f32 v21, v3;
	[tilespmem:s10+$0x1B0] =	vst v63;
	v24 =	vld [tilespmem:s12+$0xFFFFFE20]  }
0x18d: {  	v31 =	vld [tilespmem:s12+$0xFFFFFE90];
	v3 =	vmul.f32 v22, v3;
	[tilespmem:s10+$0x1C0] =	vst v18  }
0x18e: {  	v33 =	vld [tilespmem:s12+$0xFFFFFEA0];
	v8 =	vmul.f32 v25, v23;
	[tilespmem:s10+$0x1D0] =	vst v21  }
0x18f: {  	v34 =	vld [tilespmem:s12+$0xFFFFFEB0];
	[tilespmem:s10+$0x1E0] =	vst v3;
	v3 =	vmul.f32 v16, v23  }
0x190: {  	v36 =	vld [tilespmem:s12+$0xFFFFFEC0];
	v32 =	vmul.f32 v27, v23;
	[tilespmem:s12+$0xFFFFFE30] =	vst v8  }
0x191: {  	v37 =	vld [tilespmem:s12+$0xFFFFFED0];
	[tilespmem:s12+$0xFFFFFE00] =	vst v3;
	v3 =	vmul.f32 v24, v23  }
0x192: {  	v39 =	vld [tilespmem:s12+$0xFFFFFEE0];
	v35 =	vmul.f32 v29, v23;
	[tilespmem:s12+$0xFFFFFE50] =	vst v32  }
0x193: {  	v40 =	vld [tilespmem:s12+$0xFFFFFEF0];
	[tilespmem:s12+$0xFFFFFE20] =	vst v3;
	v3 =	vmul.f32 v26, v23  }
0x194: {  	v42 =	vld [tilespmem:s12+$0xFFFFFF00];
	v38 =	vmul.f32 v31, v60;
	[tilespmem:s12+$0xFFFFFE70] =	vst v35  }
0x195: {  	v43 =	vld [tilespmem:s12+$0xFFFFFF10];
	[tilespmem:s12+$0xFFFFFE40] =	vst v3;
	v3 =	vmul.f32 v28, v23  }
0x196: {  	v45 =	vld [tilespmem:s12+$0xFFFFFF20];
	v41 =	vmul.f32 v34, v60;
	[tilespmem:s12+$0xFFFFFE90] =	vst v38  }
0x197: {  	v46 =	vld [tilespmem:s12+$0xFFFFFF30];
	[tilespmem:s12+$0xFFFFFE60] =	vst v3;
	v3 =	vmul.f32 v30, v60  }
0x198: {  	v48 =	vld [tilespmem:s12+$0xFFFFFF40];
	v44 =	vmul.f32 v37, v60;
	[tilespmem:s12+$0xFFFFFEB0] =	vst v41  }
0x199: {  	v49 =	vld [tilespmem:s12+$0xFFFFFF50];
	[tilespmem:s12+$0xFFFFFE80] =	vst v3;
	v3 =	vmul.f32 v33, v60  }
0x19a: {  	v51 =	vld [tilespmem:s12+$0xFFFFFF60];
	v47 =	vmul.f32 v40, v60;
	[tilespmem:s12+$0xFFFFFED0] =	vst v44  }
0x19b: {  	v17 =	vbroadcast v17, $0x0;
	v52 =	vld [tilespmem:s12+$0xFFFFFF70];
	[tilespmem:s12+$0xFFFFFEA0] =	vst v3;
	v3 =	vmul.f32 v36, v60  }
0x19c: {  	v13 =	vbroadcast v13, $0x0;
	v54 =	vld [tilespmem:s12+$0xFFFFFF80];
	v50 =	vmul.f32 v43, v12;
	[tilespmem:s12+$0xFFFFFEF0] =	vst v47  }
0x19d: {  	v14 =	vbroadcast v14, $0x0;
	v57 =	vld [tilespmem:s12+$0xFFFFFFA0];
	[tilespmem:s12+$0xFFFFFEC0] =	vst v3;
	v3 =	vmul.f32 v39, v60  }
0x19e: {  	v15 =	vbroadcast v15, $0x0;
	v58 =	vld [tilespmem:s12+$0xFFFFFFB0];
	v53 =	vmul.f32 v46, v12;
	[tilespmem:s12+$0xFFFFFF10] =	vst v50  }
0x19f: {  	v20 =	vld [tilespmem:s12+$0xFFFFFE10];
	[tilespmem:s12+$0xFFFFFEE0] =	vst v3;
	v3 =	vmul.f32 v42, v12  }
0x1a0: {  	v61 =	vld [tilespmem:s12+$0xFFFFFFD0];
	v56 =	vmul.f32 v49, v12;
	[tilespmem:s12+$0xFFFFFF30] =	vst v53  }
0x1a1: {  	v17 =	vld.idx.msk [tilespmem:v17+s26+$0x0], $0xffff;
	[tilespmem:s12+$0xFFFFFF00] =	vst v3;
	v3 =	vmul.f32 v45, v12  }
0x1a2: {  	v7 =	vld.idx.msk [tilespmem:v13+s26+$0x0], $0xffff;
	v59 =	vmul.f32 v52, v12;
	[tilespmem:s12+$0xFFFFFF50] =	vst v56  }
0x1a3: {  	v6 =	vld.idx.msk [tilespmem:v14+s26+$0x0], $0xffff;
	[tilespmem:s12+$0xFFFFFF20] =	vst v3;
	v3 =	vmul.f32 v48, v12  }
0x1a4: {  	v5 =	vld.idx.msk [tilespmem:v15+s26+$0x0], $0xffff;
	[tilespmem:s12+$0xFFFFFF70] =	vst v59;
	v13 =	vmul.f32 v20, v23  }
0x1a5: {  	v37 =	vld [tilespmem:s12+$0xD0];
	[tilespmem:s12+$0xFFFFFF40] =	vst v3;
	v3 =	vmul.f32 v51, v12  }
0x1a6: {  	v18 =	vmul.f32 v58, v17;
	[tilespmem:s12+$0xFFFFFE10] =	vst v13;
	v60 =	vld [tilespmem:s12+$0xFFFFFFC0]  }
0x1a7: {  	v43 =	vld [tilespmem:s12+$0x110];
	[tilespmem:s12+$0xFFFFFF60] =	vst v3;
	v3 =	vmul.f32 v54, v17  }
0x1a8: {  	v63 =	vld [tilespmem:s12+$0xFFFFFFE0];
	v21 =	vmul.f32 v61, v17;
	[tilespmem:s12+$0xFFFFFFB0] =	vst v18  }
0x1a9: {  	v46 =	vld [tilespmem:s12+$0x130];
	[tilespmem:s12+$0xFFFFFF80] =	vst v3;
	v3 =	vmul.f32 v57, v17  }
0x1aa: {  	v19 =	vld [tilespmem:s12+$0x0];
	v44 =	vmul.f32 v37, v6;
	[tilespmem:s12+$0xFFFFFFD0] =	vst v21  }
0x1ab: {  	v32 =	vld [tilespmem:s12+$0x90];
	[tilespmem:s12+$0xFFFFFFA0] =	vst v3;
	v3 =	vmul.f32 v60, v17  }
0x1ac: {  	v22 =	vld [tilespmem:s12+$0x20];
	v49 =	vmul.f32 v43, v5;
	[tilespmem:s12+$0xD0] =	vst v44  }
0x1ad: {  	v35 =	vld [tilespmem:s12+$0xB0];
	[tilespmem:s12+$0xFFFFFFC0] =	vst v3;
	v3 =	vmul.f32 v63, v17  }
0x1ae: {  	v25 =	vld [tilespmem:s12+$0x40];
	v52 =	vmul.f32 v46, v5;
	[tilespmem:s12+$0x110] =	vst v49  }
0x1af: {  	v62 =	vld [tilespmem:s12+$0x1F0];
	[tilespmem:s12+$0xFFFFFFE0] =	vst v3;
	v3 =	vmul.f32 v19, v7  }
0x1b0: {  	v38 =	vmul.f32 v32, v6;
	[tilespmem:s12+$0x130] =	vst v52;
	v28 =	vld [tilespmem:s12+$0x60]  }
0x1b1: {  	v55 =	vld [tilespmem:s12+$0xFFFFFF90];
	[tilespmem:s12+$0x0] =	vst v3;
	v3 =	vmul.f32 v22, v7  }
0x1b2: {  	v31 =	vld [tilespmem:s12+$0x80];
	v41 =	vmul.f32 v35, v6;
	[tilespmem:s12+$0x90] =	vst v38  }
0x1b3: {  	v16 =	vld [tilespmem:s12+$0xFFFFFFF0];
	[tilespmem:s12+$0x20] =	vst v3;
	v3 =	vmul.f32 v25, v7  }
0x1b4: {  	v34 =	vld [tilespmem:s12+$0xA0];
	v10 =	vmul.f32 v62, v4;
	[tilespmem:s12+$0xB0] =	vst v41  }
0x1b5: {  	v20 =	vld [tilespmem:s12+$0x10];
	[tilespmem:s12+$0x40] =	vst v3;
	v3 =	vmul.f32 v28, v7  }
0x1b6: {  	v62 =	vmul.f32 v55, v17;
	[tilespmem:s12+$0x1F0] =	vst v10;
	v36 =	vld [tilespmem:s12+$0xC0]  }
0x1b7: {  	v26 =	vld [tilespmem:s12+$0x50];
	[tilespmem:s12+$0x60] =	vst v3;
	v3 =	vmul.f32 v31, v6  }
0x1b8: {  	v24 =	vmul.f32 v16, v17;
	[tilespmem:s12+$0xFFFFFF90] =	vst v62;
	v39 =	vld [tilespmem:s12+$0xE0]  }
0x1b9: {  	v23 =	vld [tilespmem:s12+$0x30];
	[tilespmem:s12+$0x80] =	vst v3;
	v3 =	vmul.f32 v34, v6  }
0x1ba: {  	v27 =	vmul.f32 v20, v7;
	[tilespmem:s12+$0xFFFFFFF0] =	vst v24;
	v42 =	vld [tilespmem:s12+$0x100]  }
0x1bb: {  	v48 =	vld [tilespmem:s12+$0x150];
	[tilespmem:s12+$0xA0] =	vst v3;
	v3 =	vmul.f32 v36, v6  }
0x1bc: {  	[tilespmem:s12+$0x10] =	vst v27;
	v33 =	vmul.f32 v26, v7;
	v45 =	vld [tilespmem:s12+$0x120]  }
0x1bd: {  	v54 =	vld [tilespmem:s12+$0x190];
	[tilespmem:s12+$0xC0] =	vst v3;
	v3 =	vmul.f32 v39, v6  }
0x1be: {  	v47 =	vld [tilespmem:s12+$0x140];
	v30 =	vmul.f32 v23, v7;
	[tilespmem:s12+$0x50] =	vst v33  }
0x1bf: {  	v59 =	vld [tilespmem:s12+$0x1D0];
	[tilespmem:s12+$0xE0] =	vst v3;
	v3 =	vmul.f32 v42, v5  }
0x1c0: {  	v50 =	vld [tilespmem:s12+$0x160];
	[tilespmem:s12+$0x30] =	vst v30;
	v55 =	vmul.f32 v48, v5  }
0x1c1: {  	v57 =	vld [tilespmem:s12+$0x1B0];
	[tilespmem:s12+$0x100] =	vst v3;
	v3 =	vmul.f32 v45, v5  }
0x1c2: {  	v53 =	vld [tilespmem:s12+$0x180];
	[tilespmem:s12+$0x150] =	vst v55;
	v60 =	vmul.f32 v54, v4  }
0x1c3: {  	v29 =	vld [tilespmem:s12+$0x70];
	[tilespmem:s12+$0x120] =	vst v3;
	v3 =	vmul.f32 v47, v5  }
0x1c4: {  	v56 =	vld [tilespmem:s12+$0x1A0];
	v63 =	vmul.f32 v59, v4;
	[tilespmem:s12+$0x190] =	vst v60  }
0x1c5: {  	v40 =	vld [tilespmem:s12+$0xF0];
	[tilespmem:s12+$0x140] =	vst v3;
	v3 =	vmul.f32 v50, v5  }
0x1c6: {  	v58 =	vld [tilespmem:s12+$0x1C0];
	v62 =	vmul.f32 v57, v4;
	[tilespmem:s12+$0x1D0] =	vst v63  }
0x1c7: {  	v51 =	vld [tilespmem:s12+$0x170];
	[tilespmem:s12+$0x160] =	vst v3;
	v3 =	vmul.f32 v53, v4  }
0x1c8: {  	v61 =	vld [tilespmem:s12+$0x1E0];
	[tilespmem:s12+$0x1B0] =	vst v62;
	v7 =	vmul.f32 v29, v7  }
0x1c9: {  	[tilespmem:s12+$0x180] =	vst v3;
	v3 =	vmul.f32 v56, v4  }
0x1ca: {  	[tilespmem:s12+$0x70] =	vst v7;
	v6 =	vmul.f32 v40, v6  }
0x1cb: {  	[tilespmem:s12+$0x1A0] =	vst v3;
	v3 =	vmul.f32 v58, v4  }
0x1cc: {  	[tilespmem:s12+$0xF0] =	vst v6;
	v5 =	vmul.f32 v51, v5  }
0x1cd: {  	s8 =	sadd.s32 $0x1, s8;
	[tilespmem:s12+$0x1C0] =	vst v3;
	v3 =	vmul.f32 v61, v4  }
0x1ce: {  	p1 =	sne.s32 s8, $0x5;
	[tilespmem:s12+$0x170] =	vst v5  }
.Ltmp6:
0x1cf: {  	s13 =	sadd.s32 $0x190, s9;
	[tilespmem:s12+$0x1E0] =	vst v3;
	(pc) =	sbr.rel @p1 .LBB2_11-.Ltmp6, $4  }
0x1d0: {  	[spmem:s2] =	stream.indirect.scatter.add.f32 [tilespmem:s24], [sflag:$0x2], $0x80, s13, s23, $0xb8;
	[tilespmem:$0x1E870] =	vst v63  }
0x1d1: {  	_ =	swait.ge [sflag:s15], $0x2800  }
0x1d2: {  	[sflag:s15] =	ssyncset.done $0x0  }
0x1d3: {  	s31 =	sadd.s32 $0x50, s31;
	s3 =	sadd.s32 $0x50, s3;
	[sflag:s15] =	ssyncadd.s32 $0xFFFFD800  }
0x1d4: {  	s30 =	sadd.s32 $0x1, s30  }
0x1d5: {  	p1 =	sne.s32 s30, $0x19  }
.Ltmp7:
0x1d6: {  	_ = 	snop;
	(pc) =	sbr.rel @p1 .LBB2_10-.Ltmp7, $1  }
0x1d7: {  	_ =	sdelay $0x3  }
0x1d8: {  	[bflag:$0x0] =	sbarrier.arrive $0xFFFF  }
0x1d9: {  	s3 =	rddreg [dreg:$0x9]  }
0x1da: {  	[hbm:s3], [sflag:s18] =	dma.local [spmem:s19], $0x2800  }
0x1db: {  	_ =	swait.ge [sflag:s15], $0x2800  }
0x1dc: {  	s28 =	sadd.s32 $0x1, s28;
	s31 =	rddreg [dreg:$0xa]  }
0x1dd: {  	p1 =	sne.s32 s28, s31  }
.Ltmp8:
0x1de: {  	_ = 	snop;
	(pc) =	sbr.rel @p1 .LBB2_1-.Ltmp8, $3  }
0x1df: {  	_ =	sdelay $0x1  }
0x1e0: {  	[sflag:s15] =	ssyncset.done $0x0  }
0x1e1: {  	[sflag:s15] =	ssyncadd.s32 $0xFFFFD800  }
0x1e2: {  	_ =	sfence.sel $0x180000  }
0x1e3: {  	[bflag:$0x0] =	sbarrier.arrive $0xFFFF  }
0x1e4: {  	_ =	strace $0x90000047  }
0x1e5: {  	[bflag:$0x2] =	sbarrier.arrive $0xFFFF  }
0x1e6: {  	s0 =	rddreg [dreg:$0x4]  }
0x1e7: {  	s0 =	sadd.s32 @!p0 $0x100000, s0  }
0x1e8: {  	[sflag:s0] =	ssyncadd.tile.s32 @!p0 $0x1;
	_ =	shalt  }
.Lfunc_end2:
_tile_overlayer_lowered:
.L_overlay_start_2:
0x1e9: {  	(tag) =	ssettag $0x2  }
0x1ea: {  	s0 =	rddreg [dreg:$0x0];
	s2 =	stileid.u32  }
0x1eb: {  	s1 =	rddreg [dreg:$0x1];
	p0 =	sne.s32 s2, $0x0  }
0x1ec: {  	s3 =	rddreg [dreg:$0x2];
	[bflag:$0x3] =	sbarrier.arrive $0xFFFF;
	s2 =	simm.s32 @!p0 $0x1C02  }
0x1ed: {  	[timem:s3], [sflag:s2] =	dma.local @!p0 [hbm:s0], s1  }
0x1ee: {  	s0 =	simm.s32 @!p0 $0x2  }
0x1ef: {  	_ =	swait.ge @!p0 [sflag:s0], s1  }
0x1f0: {  	s1 =	ssub.s32 @!p0 $0x0, s1;
	[sflag:s0] =	ssyncset.done @!p0 $0x0  }
0x1f1: {  	[sflag:s0] =	ssyncadd.s32 @!p0 s1  }
0x1f2: {  	[bflag:$0x3] =	sbarrier.arrive $0xFFFF  }
0x1f3: {  	_ =	shalt  }

</sc_bundles>
